<compile_context>
chip_gen: v7x
topology: tpu7x:2x2x1
jax: 0.10.2.dev20260603
libtpu: 0.0.44.dev20260713+nightly
codegen_flags: <defaults>
</compile_context>

<pallas_src>
import jax
import jax.numpy as jnp
from jax import lax
from jax.experimental import pallas as pl
from jax.experimental.pallas import tpu as pltpu
from jax.experimental.pallas import tpu_sc as plsc

_N = 320000
_D = 128
_S = 512
_R = 2560

_NC = 2
_NS = 16
_NW = _NC * _NS
_L = 16
_CHUNK = _N // _NW
_CIT = _CHUNK // _L
_BINS = _S * _L
_SEG_PER_W = _S // _NW

_T = 4320
_TCH = 135
_NCH = _T // _TCH
_NBUF = 2
_NTAIL = _NW * _T
_NHEAD = _N - _NTAIL
_HG = _NHEAD // _R
_H = _NHEAD // _NW
_HIT = _H // _L

_NR = _N // _D
_NHR = _NHEAD // _D
_BR = _R // _D


def _tc_loss_body(pred_ref, targ_ref, out_ref):
    i = pl.program_id(0)
    d = pred_ref[...] - targ_ref[...]
    s = jnp.sum(d * d, axis=2)
    out_ref[pl.ds(i * _BR, _BR), :] = s * (1.0 / _D)


def _tc_loss(pred3, targ3):
    out = pl.pallas_call(
        _tc_loss_body,
        grid=(_HG,),
        in_specs=[
            pl.BlockSpec((_BR, _D, _D), lambda i: (i, 0, 0)),
            pl.BlockSpec((_BR, _D, _D), lambda i: (i, 0, 0)),
        ],
        out_specs=pl.BlockSpec((_NHR, _D), lambda i: (0, 0)),
        out_shape=jax.ShapeDtypeStruct((_NHR, _D), jnp.float32),
    )(pred3, targ3)
    return out.reshape(_NHEAD)


def _sc_tail_body(batch_hbm, predf_hbm, targf_hbm,
                  sums_hbm, counts_hbm,
                  idc_v, idt_v, bins_v, cnt_v,
                  pb0, tb0, pb1, tb1, sem0, sem1):
    wid = lax.axis_index("s") * _NC + lax.axis_index("c")

    bufs = ((pb0, tb0, sem0), (pb1, tb1, sem1))

    row0 = _NHEAD + wid * _T

    def _issue(c, pb, tb, sem):
        off = (row0 + c * _TCH) * _D
        pltpu.async_copy(predf_hbm.at[pl.ds(off, _TCH * _D)], pb, sem)
        pltpu.async_copy(targf_hbm.at[pl.ds(off, _TCH * _D)], tb, sem)

    for c0 in range(_NBUF - 1):
        _issue(c0, *bufs[c0])

    pltpu.sync_copy(batch_hbm.at[pl.ds(wid * _CHUNK, _CHUNK)], idc_v)
    pltpu.sync_copy(batch_hbm.at[pl.ds(row0, _T)], idt_v)

    zeros = jnp.zeros((_L,), jnp.float32)

    def zero_body(j, carry):
        bins_v[pl.ds(j * _L, _L)] = zeros
        cnt_v[pl.ds(j * _L, _L)] = zeros
        return carry

    lax.fori_loop(0, _S, zero_body, 0)

    lane = lax.iota(jnp.int32, _L)
    ones = jnp.ones((_L,), jnp.float32)

    def cnt_body(i, carry):
        s = idc_v[pl.ds(i * _L, _L)]
        plsc.addupdate_scatter(cnt_v, [s * _L + lane], ones)
        return carry

    lax.fori_loop(0, _CIT, cnt_body, 0)

    def _drain(pb, tb, sem):
        pltpu.make_async_copy(
            predf_hbm.at[pl.ds(0, _TCH * _D)], pb, sem).wait()
        pltpu.make_async_copy(
            targf_hbm.at[pl.ds(0, _TCH * _D)], tb, sem).wait()

    def tail_outer(c2, carry):
        for b in range(_NBUF):
            c = c2 * _NBUF + b
            pb, tb, sem = bufs[b]
            _drain(pb, tb, sem)

            @pl.when(c + _NBUF - 1 < _NCH)
            def _prefetch():
                _issue(c + _NBUF - 1, *bufs[(b + _NBUF - 1) % _NBUF])

            def row_body(r, carry2):
                segv = plsc.load_gather(
                    idt_v, [jnp.full((_L,), c * _TCH + r, jnp.int32)])
                base = r * _D
                d0 = pb[pl.ds(base, _L)] - tb[pl.ds(base, _L)]
                acc = d0 * d0
                for j in range(1, _D // _L):
                    dj = (pb[pl.ds(base + j * _L, _L)]
                          - tb[pl.ds(base + j * _L, _L)])
                    acc = acc + dj * dj
                plsc.addupdate_scatter(
                    bins_v, [segv * _L + lane], acc * (1.0 / _D))
                return carry2

            lax.fori_loop(0, _TCH, row_body, 0)
        return carry

    lax.fori_loop(0, _NCH // _NBUF, tail_outer, 0)

    pltpu.sync_copy(bins_v, sums_hbm.at[wid])
    pltpu.sync_copy(cnt_v, counts_hbm.at[wid])


def _sc_head_body(loss_hbm, batch_hbm, tail_sums_hbm, sums_hbm,
                  loss_v, idh_v, bins_v, sem0, sem1, sem2):
    wid = lax.axis_index("s") * _NC + lax.axis_index("c")

    c0 = pltpu.async_copy(loss_hbm.at[pl.ds(wid * _H, _H)], loss_v, sem0)
    c1 = pltpu.async_copy(batch_hbm.at[pl.ds(wid * _H, _H)], idh_v, sem1)
    c2 = pltpu.async_copy(tail_sums_hbm.at[wid], bins_v, sem2)
    c0.wait()
    c1.wait()
    c2.wait()

    lane = lax.iota(jnp.int32, _L)

    def head_body(i, carry):
        l = loss_v[pl.ds(i * _L, _L)]
        s = idh_v[pl.ds(i * _L, _L)]
        plsc.addupdate_scatter(bins_v, [s * _L + lane], l)
        return carry

    lax.fori_loop(0, _HIT, head_body, 0)

    pltpu.sync_copy(bins_v, sums_hbm.at[wid])


_COLS = _SEG_PER_W * _L


def _sc_phase2_body(sums_hbm, counts_hbm, out_hbm,
                    sums_v, cnts_v, acc_s, acc_c, out_v, sem0, sem1):
    wid = lax.axis_index("s") * _NC + lax.axis_index("c")
    col0 = wid * _COLS

    c0 = pltpu.async_copy(sums_hbm.at[:, pl.ds(col0, _COLS)], sums_v, sem0)
    c1 = pltpu.async_copy(counts_hbm.at[:, pl.ds(col0, _COLS)], cnts_v, sem1)
    c0.wait()
    c1.wait()

    zeros = jnp.zeros((_L,), jnp.float32)
    for j in range(_SEG_PER_W):
        acc_s[pl.ds(j * _L, _L)] = zeros
        acc_c[pl.ds(j * _L, _L)] = zeros

    def body(p, carry):
        for j in range(_SEG_PER_W):
            sl = pl.ds(j * _L, _L)
            acc_s[sl] = acc_s[sl] + sums_v[p, sl]
            acc_c[sl] = acc_c[sl] + cnts_v[p, sl]
        return carry

    lax.fori_loop(0, _NW, body, 0)

    seg16 = lax.iota(jnp.int32, _L) * _L
    tot_s = jnp.zeros((_L,), jnp.float32)
    tot_c = jnp.zeros((_L,), jnp.float32)
    for j in range(_L):
        tot_s = tot_s + plsc.load_gather(acc_s, [seg16 + j])
        tot_c = tot_c + plsc.load_gather(acc_c, [seg16 + j])

    out_v[...] = tot_s / tot_c
    pltpu.sync_copy(out_v, out_hbm.at[pl.ds(wid * _SEG_PER_W, _SEG_PER_W)])


_sc_cache = []


def _sc_kernels():
    if not _sc_cache:
        mesh = plsc.VectorSubcoreMesh(
            core_axis_name="c", subcore_axis_name="s",
            num_cores=_NC, num_subcores=_NS)
        params = pltpu.CompilerParams(needs_layout_passes=False)
        tail_k = pl.kernel(
            _sc_tail_body,
            compiler_params=params,
            out_type=[
                jax.ShapeDtypeStruct((_NW, _BINS), jnp.float32),
                jax.ShapeDtypeStruct((_NW, _BINS), jnp.float32),
            ],
            mesh=mesh,
            scratch_types=[
                pltpu.VMEM((_CHUNK,), jnp.int32),
                pltpu.VMEM((_T,), jnp.int32),
                pltpu.VMEM((_BINS,), jnp.float32),
                pltpu.VMEM((_BINS,), jnp.float32),
                pltpu.VMEM((_TCH * _D,), jnp.float32),
                pltpu.VMEM((_TCH * _D,), jnp.float32),
                pltpu.VMEM((_TCH * _D,), jnp.float32),
                pltpu.VMEM((_TCH * _D,), jnp.float32),
                pltpu.SemaphoreType.DMA,
                pltpu.SemaphoreType.DMA,
            ],
        )
        head_k = pl.kernel(
            _sc_head_body,
            compiler_params=params,
            out_type=jax.ShapeDtypeStruct((_NW, _BINS), jnp.float32),
            mesh=mesh,
            scratch_types=[
                pltpu.VMEM((_H,), jnp.float32),
                pltpu.VMEM((_H,), jnp.int32),
                pltpu.VMEM((_BINS,), jnp.float32),
                pltpu.SemaphoreType.DMA,
                pltpu.SemaphoreType.DMA,
                pltpu.SemaphoreType.DMA,
            ],
        )
        phase2 = pl.kernel(
            _sc_phase2_body,
            compiler_params=params,
            out_type=jax.ShapeDtypeStruct((_S,), jnp.float32),
            mesh=mesh,
            scratch_types=[
                pltpu.VMEM((_NW, _COLS), jnp.float32),
                pltpu.VMEM((_NW, _COLS), jnp.float32),
                pltpu.VMEM((_COLS,), jnp.float32),
                pltpu.VMEM((_COLS,), jnp.float32),
                pltpu.VMEM((_L,), jnp.float32),
                pltpu.SemaphoreType.DMA,
                pltpu.SemaphoreType.DMA,
            ],
        )
        _sc_cache.append((tail_k, head_k, phase2))
    return _sc_cache[0]


@jax.jit
def kernel(pred, targ, batch):
    tail_k, head_k, phase2 = _sc_kernels()
    predf = pred.reshape(_N * _D)
    targf = targ.reshape(_N * _D)
    tail_sums, counts_p = tail_k(batch, predf, targf)
    pred3 = pred.reshape(_NR, _D, _D)
    targ3 = targ.reshape(_NR, _D, _D)
    loss_head = _tc_loss(pred3, targ3)
    sums_p = head_k(loss_head, batch, tail_sums)
    return phase2(sums_p, counts_p)

# --- scband reference (transcript-rebuilt; emitter-appended) ---
"""Pipeline reference for scband-geometric-loss-84439057039873 (READ-ONLY COPY).

The authoritative reference and input builder live on the scoring server;
editing this copy changes nothing except your own understanding.
"""

import jax, jax.numpy as jnp
import numpy as np

N = 320000
D = 128
NUM_SEG = 512


def setup_inputs(seed: int = 0) -> dict:
    key = jax.random.key(seed)
    k1, k2, k3 = jax.random.split(key, 3)
    pred = jax.random.normal(k1, (N, D), dtype=jnp.float32)
    targ = jax.random.normal(k2, (N, D), dtype=jnp.float32)
    batch = jnp.sort(jax.random.randint(k3, (N,), 0, NUM_SEG, dtype=jnp.int32))
    return {"pred": pred, "targ": targ, "batch": batch}


def reference(pred, targ, batch):
    # _loss assumed to be elementwise squared error (standard geometric MSE loss)
    loss = (pred - targ) ** 2
    # apply_mean=True, mean_dim=1
    loss = jnp.mean(loss, axis=1)
    num_samples = NUM_SEG
    # scatter_add_ over segment ids -> segment_sum
    loss_per_sample = jax.ops.segment_sum(loss, batch, num_segments=num_samples)
    count_per_sample = jax.ops.segment_sum(
        jnp.ones_like(loss), batch, num_segments=num_samples
    )
    loss_batch = loss_per_sample / count_per_sample
    return loss_batch

if __name__ == "__main__":
    import jax
    _d = setup_inputs()
    print(jax.jit(kernel)(*tuple(_d.values())))

</pallas_src>

<mosaic_0001>
#map = affine_map<(d0, d1) -> (0)>
#map1 = affine_map<(d0, d1) -> (0, 0)>
module attributes {stable_mosaic.version = 14 : i64} {
  func.func @_sc_tail_body(%arg0: i32, %arg1: i32, %arg2: memref<320000xi32, #tpu.memory_space<hbm>>, %arg3: memref<40960000xf32, #tpu.memory_space<hbm>>, %arg4: memref<40960000xf32, #tpu.memory_space<hbm>>, %arg5: memref<32x8192xf32, #tpu.memory_space<hbm>>, %arg6: memref<32x8192xf32, #tpu.memory_space<hbm>>, %arg7: memref<10000xi32, #tpu.memory_space<vmem>>, %arg8: memref<4320xi32, #tpu.memory_space<vmem>>, %arg9: memref<8192xf32, #tpu.memory_space<vmem>>, %arg10: memref<8192xf32, #tpu.memory_space<vmem>>, %arg11: memref<17280xf32, #tpu.memory_space<vmem>>, %arg12: memref<17280xf32, #tpu.memory_space<vmem>>, %arg13: memref<17280xf32, #tpu.memory_space<vmem>>, %arg14: memref<17280xf32, #tpu.memory_space<vmem>>, %arg15: memref<!tpu.dma_semaphore, #tpu.memory_space<semaphore_mem>>, %arg16: memref<!tpu.dma_semaphore, #tpu.memory_space<semaphore_mem>>) attributes {dimension_semantics = [#tpu.dimension_semantics<core_parallel>, #tpu.dimension_semantics<subcore_parallel>], iteration_bounds = array<i64: 2, 16>, scalar_prefetch = 0 : i64, scratch_operands = 10 : i64, tpu.core_type = #tpu.core_type<sc_vector_subcore>, window_params = [{transform_indices = #map}, {transform_indices = #map}, {transform_indices = #map}, {transform_indices = #map1}, {transform_indices = #map1}]} {
    %mul3A = arith.constant 2 : i32
    %mul3A_0 = arith.muli %arg1, %mul3A : i32
    %add3A = arith.addi %mul3A_0, %arg0 : i32
    %mul3A_1 = arith.constant 4320 : i32
    %mul3A_2 = arith.muli %add3A, %mul3A_1 : i32
    %add3A_3 = arith.constant 181760 : i32
    %add3A_4 = arith.addi %add3A_3, %mul3A_2 : i32
    %add3A_5 = arith.constant 0 : i32
    %add3A_6 = arith.addi %add3A_4, %add3A_5 : i32
    %mul3A_7 = arith.constant 128 : i32
    %mul3A_8 = arith.muli %add3A_6, %mul3A_7 : i32
    %dma_start3A = tpu.memref_slice %arg3[%mul3A_8] : memref<40960000xf32, #tpu.memory_space<hbm>> -> memref<17280xf32, #tpu.memory_space<hbm>>
    %dma_start3A_9 = tpu.memref_slice %arg3[%mul3A_8] : memref<40960000xf32, #tpu.memory_space<hbm>> -> memref<17280xf32, #tpu.memory_space<hbm>>
    tpu.enqueue_dma source(%dma_start3A_9 : memref<17280xf32, #tpu.memory_space<hbm>>) target(%arg11 : memref<17280xf32, #tpu.memory_space<vmem>>) target_semaphore(%arg15 : memref<!tpu.dma_semaphore, #tpu.memory_space<semaphore_mem>>)
    %dma_start3A_10 = tpu.memref_slice %arg4[%mul3A_8] : memref<40960000xf32, #tpu.memory_space<hbm>> -> memref<17280xf32, #tpu.memory_space<hbm>>
    %dma_start3A_11 = tpu.memref_slice %arg4[%mul3A_8] : memref<40960000xf32, #tpu.memory_space<hbm>> -> memref<17280xf32, #tpu.memory_space<hbm>>
    tpu.enqueue_dma source(%dma_start3A_11 : memref<17280xf32, #tpu.memory_space<hbm>>) target(%arg12 : memref<17280xf32, #tpu.memory_space<vmem>>) target_semaphore(%arg15 : memref<!tpu.dma_semaphore, #tpu.memory_space<semaphore_mem>>)
    %mul3A_12 = arith.constant 10000 : i32
    %mul3A_13 = arith.muli %add3A, %mul3A_12 : i32
    "tpu.region"() ({
      %run_scoped3A = tpu.sem_alloc : memref<!tpu.dma_semaphore, #tpu.memory_space<semaphore_mem>>
      %dma_start3A_34 = tpu.memref_slice %arg2[%mul3A_13] : memref<320000xi32, #tpu.memory_space<hbm>> -> memref<10000xi32, #tpu.memory_space<hbm>>
      %dma_start3A_35 = tpu.memref_slice %arg2[%mul3A_13] : memref<320000xi32, #tpu.memory_space<hbm>> -> memref<10000xi32, #tpu.memory_space<hbm>>
      tpu.enqueue_dma source(%dma_start3A_35 : memref<10000xi32, #tpu.memory_space<hbm>>) target(%arg7 : memref<10000xi32, #tpu.memory_space<vmem>>) target_semaphore(%run_scoped3A : memref<!tpu.dma_semaphore, #tpu.memory_space<semaphore_mem>>)
      %dma_wait3A = tpu.memref_slice %arg2[%mul3A_13] : memref<320000xi32, #tpu.memory_space<hbm>> -> memref<10000xi32, #tpu.memory_space<hbm>>
      %dma_wait3A_36 = tpu.memref_slice %arg2[%mul3A_13] : memref<320000xi32, #tpu.memory_space<hbm>> -> memref<10000xi32, #tpu.memory_space<hbm>>
      tpu.wait_dma2 semaphore(%run_scoped3A : memref<!tpu.dma_semaphore, #tpu.memory_space<semaphore_mem>>) src(%dma_wait3A_36 : memref<10000xi32, #tpu.memory_space<hbm>>) dst(%arg7 : memref<10000xi32, #tpu.memory_space<vmem>>)
      tpu.yield
    }) : () -> ()
    "tpu.region"() ({
      %run_scoped3A = tpu.sem_alloc : memref<!tpu.dma_semaphore, #tpu.memory_space<semaphore_mem>>
      %dma_start3A_34 = tpu.memref_slice %arg2[%add3A_4] : memref<320000xi32, #tpu.memory_space<hbm>> -> memref<4320xi32, #tpu.memory_space<hbm>>
      %dma_start3A_35 = tpu.memref_slice %arg2[%add3A_4] : memref<320000xi32, #tpu.memory_space<hbm>> -> memref<4320xi32, #tpu.memory_space<hbm>>
      tpu.enqueue_dma source(%dma_start3A_35 : memref<4320xi32, #tpu.memory_space<hbm>>) target(%arg8 : memref<4320xi32, #tpu.memory_space<vmem>>) target_semaphore(%run_scoped3A : memref<!tpu.dma_semaphore, #tpu.memory_space<semaphore_mem>>)
      %dma_wait3A = tpu.memref_slice %arg2[%add3A_4] : memref<320000xi32, #tpu.memory_space<hbm>> -> memref<4320xi32, #tpu.memory_space<hbm>>
      %dma_wait3A_36 = tpu.memref_slice %arg2[%add3A_4] : memref<320000xi32, #tpu.memory_space<hbm>> -> memref<4320xi32, #tpu.memory_space<hbm>>
      tpu.wait_dma2 semaphore(%run_scoped3A : memref<!tpu.dma_semaphore, #tpu.memory_space<semaphore_mem>>) src(%dma_wait3A_36 : memref<4320xi32, #tpu.memory_space<hbm>>) dst(%arg8 : memref<4320xi32, #tpu.memory_space<vmem>>)
      tpu.yield
    }) : () -> ()
    %broadcast_in_dim3A = arith.constant 0.000000e+00 : f32
    %broadcast_in_dim3A_14 = vector.broadcast %broadcast_in_dim3A : f32 to vector<16xf32>
    %scan3A = arith.constant 0 : i32
    %scan3A_15 = arith.constant 0 : i32
    %scan3A_16 = arith.constant 512 : i32
    %scan3A_17 = arith.addi %scan3A_15, %scan3A_16 : i32
    %scan3A_18 = arith.constant 1 : i32
    scf.for %scan3A_34 = %scan3A_15 to %scan3A_17 step %scan3A_18  : i32 {
      %mul3A_35 = arith.constant 16 : i32
      %mul3A_36 = arith.muli %scan3A_34, %mul3A_35 : i32
      %swap3A = arith.index_cast %mul3A_36 : i32 to index
      %swap3A_37 = tpu.vector_load %arg9[%swap3A] {strides = array<i32>} : memref<8192xf32, #tpu.memory_space<vmem>>, vector<16xf32>,
      tpu.vector_store %arg9[%swap3A], %broadcast_in_dim3A_14 {strides = array<i32>} : memref<8192xf32, #tpu.memory_space<vmem>>, vector<16xf32>,
      %mul3A_38 = arith.constant 16 : i32
      %mul3A_39 = arith.muli %scan3A_34, %mul3A_38 : i32
      %swap3A_40 = arith.index_cast %mul3A_39 : i32 to index
      %swap3A_41 = tpu.vector_load %arg10[%swap3A_40] {strides = array<i32>} : memref<8192xf32, #tpu.memory_space<vmem>>, vector<16xf32>,
      tpu.vector_store %arg10[%swap3A_40], %broadcast_in_dim3A_14 {strides = array<i32>} : memref<8192xf32, #tpu.memory_space<vmem>>, vector<16xf32>,
    }
    %scan3A_19 = arith.constant 512 : i32
    %iota3A = tpu.iota {dimensions = array<i32: 0>} : vector<16xi32>
    %broadcast_in_dim3A_20 = arith.constant 1.000000e+00 : f32
    %broadcast_in_dim3A_21 = vector.broadcast %broadcast_in_dim3A_20 : f32 to vector<16xf32>
    %scan3A_22 = arith.constant 0 : i32
    %scan3A_23 = arith.constant 0 : i32
    %scan3A_24 = arith.constant 625 : i32
    %scan3A_25 = arith.addi %scan3A_23, %scan3A_24 : i32
    %scan3A_26 = arith.constant 1 : i32
    scf.for %scan3A_34 = %scan3A_23 to %scan3A_25 step %scan3A_26  : i32 {
      %mul3A_35 = arith.constant 16 : i32
      %mul3A_36 = arith.muli %scan3A_34, %mul3A_35 : i32
      %get3A = arith.index_cast %mul3A_36 : i32 to index
      %get3A_37 = tpu.vector_load %arg7[%get3A] {strides = array<i32>} : memref<10000xi32, #tpu.memory_space<vmem>>, vector<16xi32>,
      %mul3A_38 = arith.constant 16 : i32
      %mul3A_39 = vector.broadcast %mul3A_38 : i32 to vector<16xi32>
      %mul3A_40 = arith.muli %get3A_37, %mul3A_39 : vector<16xi32>
      %add3A_41 = arith.addi %mul3A_40, %iota3A : vector<16xi32>
      tpu.vector_store_idx %arg10[%add3A_41], %broadcast_in_dim3A_21 {add = true} : memref<8192xf32, #tpu.memory_space<vmem>>[vector<16xi32>], vector<16xf32>,
    }
    %scan3A_27 = arith.constant 625 : i32
    %scan3A_28 = arith.constant 0 : i32
    %scan3A_29 = arith.constant 0 : i32
    %scan3A_30 = arith.constant 16 : i32
    %scan3A_31 = arith.addi %scan3A_29, %scan3A_30 : i32
    %scan3A_32 = arith.constant 1 : i32
    scf.for %scan3A_34 = %scan3A_29 to %scan3A_31 step %scan3A_32  : i32 {
      %mul3A_35 = arith.constant 2 : i32
      %mul3A_36 = arith.muli %scan3A_34, %mul3A_35 : i32
      %add3A_37 = arith.constant 0 : i32
      %add3A_38 = arith.addi %mul3A_36, %add3A_37 : i32
      %dma_wait3A = arith.constant 0 : i32
      %dma_wait3A_39 = tpu.memref_slice %arg3[%dma_wait3A] : memref<40960000xf32, #tpu.memory_space<hbm>> -> memref<17280xf32, #tpu.memory_space<hbm>>
      %dma_wait3A_40 = arith.constant 0 : i32
      %dma_wait3A_41 = tpu.memref_slice %arg3[%dma_wait3A_40] : memref<40960000xf32, #tpu.memory_space<hbm>> -> memref<17280xf32, #tpu.memory_space<hbm>>
      tpu.wait_dma2 semaphore(%arg15 : memref<!tpu.dma_semaphore, #tpu.memory_space<semaphore_mem>>) src(%dma_wait3A_41 : memref<17280xf32, #tpu.memory_space<hbm>>) dst(%arg11 : memref<17280xf32, #tpu.memory_space<vmem>>)
      %dma_wait3A_42 = arith.constant 0 : i32
      %dma_wait3A_43 = tpu.memref_slice %arg4[%dma_wait3A_42] : memref<40960000xf32, #tpu.memory_space<hbm>> -> memref<17280xf32, #tpu.memory_space<hbm>>
      %dma_wait3A_44 = arith.constant 0 : i32
      %dma_wait3A_45 = tpu.memref_slice %arg4[%dma_wait3A_44] : memref<40960000xf32, #tpu.memory_space<hbm>> -> memref<17280xf32, #tpu.memory_space<hbm>>
      tpu.wait_dma2 semaphore(%arg15 : memref<!tpu.dma_semaphore, #tpu.memory_space<semaphore_mem>>) src(%dma_wait3A_45 : memref<17280xf32, #tpu.memory_space<hbm>>) dst(%arg12 : memref<17280xf32, #tpu.memory_space<vmem>>)
      %add3A_46 = arith.constant 2 : i32
      %add3A_47 = arith.addi %add3A_38, %add3A_46 : i32
      %sub3A = arith.constant 1 : i32
      %sub3A_48 = arith.subi %add3A_47, %sub3A : i32
      %lt3A = arith.constant 32 : i32
      %lt3A_49 = arith.cmpi slt, %sub3A_48, %lt3A : i32
      %convert_element_type3A = arith.extui %lt3A_49 : i1 to i32
      %cond3A = arith.constant 0 : i32
      %cond3A_50 = arith.cmpi ne, %convert_element_type3A, %cond3A : i32
      scf.if %cond3A_50 {
        %add3A_84 = arith.constant 2 : i32
        %add3A_85 = arith.addi %add3A_38, %add3A_84 : i32
        %sub3A_86 = arith.constant 1 : i32
        %sub3A_87 = arith.subi %add3A_85, %sub3A_86 : i32
        %mul3A_88 = arith.constant 135 : i32
        %mul3A_89 = arith.muli %sub3A_87, %mul3A_88 : i32
        %add3A_90 = arith.addi %add3A_4, %mul3A_89 : i32
        %mul3A_91 = arith.constant 128 : i32
        %mul3A_92 = arith.muli %add3A_90, %mul3A_91 : i32
        %dma_start3A_93 = tpu.memref_slice %arg3[%mul3A_92] : memref<40960000xf32, #tpu.memory_space<hbm>> -> memref<17280xf32, #tpu.memory_space<hbm>>
        %dma_start3A_94 = tpu.memref_slice %arg3[%mul3A_92] : memref<40960000xf32, #tpu.memory_space<hbm>> -> memref<17280xf32, #tpu.memory_space<hbm>>
        tpu.enqueue_dma source(%dma_start3A_94 : memref<17280xf32, #tpu.memory_space<hbm>>) target(%arg13 : memref<17280xf32, #tpu.memory_space<vmem>>) target_semaphore(%arg16 : memref<!tpu.dma_semaphore, #tpu.memory_space<semaphore_mem>>)
        %dma_start3A_95 = tpu.memref_slice %arg4[%mul3A_92] : memref<40960000xf32, #tpu.memory_space<hbm>> -> memref<17280xf32, #tpu.memory_space<hbm>>
        %dma_start3A_96 = tpu.memref_slice %arg4[%mul3A_92] : memref<40960000xf32, #tpu.memory_space<hbm>> -> memref<17280xf32, #tpu.memory_space<hbm>>
        tpu.enqueue_dma source(%dma_start3A_96 : memref<17280xf32, #tpu.memory_space<hbm>>) target(%arg14 : memref<17280xf32, #tpu.memory_space<vmem>>) target_semaphore(%arg16 : memref<!tpu.dma_semaphore, #tpu.memory_space<semaphore_mem>>)
      } else {
      }
      %scan3A_51 = arith.constant 0 : i32
      %scan3A_52 = arith.constant 0 : i32
      %scan3A_53 = arith.constant 135 : i32
      %scan3A_54 = arith.addi %scan3A_52, %scan3A_53 : i32
      %scan3A_55 = arith.constant 1 : i32
      scf.for %scan3A_84 = %scan3A_52 to %scan3A_54 step %scan3A_55  : i32 {
        %mul3A_85 = arith.constant 135 : i32
        %mul3A_86 = arith.muli %add3A_38, %mul3A_85 : i32
        %add3A_87 = arith.addi %mul3A_86, %scan3A_84 : i32
        %broadcast_in_dim3A_88 = vector.broadcast %add3A_87 : i32 to vector<16xi32>
        %gather3A = tpu.vector_load_idx %arg8[%broadcast_in_dim3A_88] : memref<4320xi32, #tpu.memory_space<vmem>>[vector<16xi32>], vector<16xi32>,
        %mul3A_89 = arith.constant 128 : i32
        %mul3A_90 = arith.muli %scan3A_84, %mul3A_89 : i32
        %get3A = arith.index_cast %mul3A_90 : i32 to index
        %get3A_91 = tpu.vector_load %arg11[%get3A] {strides = array<i32>} : memref<17280xf32, #tpu.memory_space<vmem>>, vector<16xf32>,
        %get3A_92 = arith.index_cast %mul3A_90 : i32 to index
        %get3A_93 = tpu.vector_load %arg12[%get3A_92] {strides = array<i32>} : memref<17280xf32, #tpu.memory_space<vmem>>, vector<16xf32>,
        %sub3A_94 = arith.subf %get3A_91, %get3A_93 : vector<16xf32>
        %mul3A_95 = arith.mulf %sub3A_94, %sub3A_94 : vector<16xf32>
        %add3A_96 = arith.constant 16 : i32
        %add3A_97 = arith.addi %mul3A_90, %add3A_96 : i32
        %get3A_98 = arith.index_cast %add3A_97 : i32 to index
        %get3A_99 = tpu.vector_load %arg11[%get3A_98] {strides = array<i32>} : memref<17280xf32, #tpu.memory_space<vmem>>, vector<16xf32>,
        %add3A_100 = arith.constant 16 : i32
        %add3A_101 = arith.addi %mul3A_90, %add3A_100 : i32
        %get3A_102 = arith.index_cast %add3A_101 : i32 to index
        %get3A_103 = tpu.vector_load %arg12[%get3A_102] {strides = array<i32>} : memref<17280xf32, #tpu.memory_space<vmem>>, vector<16xf32>,
        %sub3A_104 = arith.subf %get3A_99, %get3A_103 : vector<16xf32>
        %mul3A_105 = arith.mulf %sub3A_104, %sub3A_104 : vector<16xf32>
        %add3A_106 = arith.addf %mul3A_95, %mul3A_105 : vector<16xf32>
        %add3A_107 = arith.constant 32 : i32
        %add3A_108 = arith.addi %mul3A_90, %add3A_107 : i32
        %get3A_109 = arith.index_cast %add3A_108 : i32 to index
        %get3A_110 = tpu.vector_load %arg11[%get3A_109] {strides = array<i32>} : memref<17280xf32, #tpu.memory_space<vmem>>, vector<16xf32>,
        %add3A_111 = arith.constant 32 : i32
        %add3A_112 = arith.addi %mul3A_90, %add3A_111 : i32
        %get3A_113 = arith.index_cast %add3A_112 : i32 to index
        %get3A_114 = tpu.vector_load %arg12[%get3A_113] {strides = array<i32>} : memref<17280xf32, #tpu.memory_space<vmem>>, vector<16xf32>,
        %sub3A_115 = arith.subf %get3A_110, %get3A_114 : vector<16xf32>
        %mul3A_116 = arith.mulf %sub3A_115, %sub3A_115 : vector<16xf32>
        %add3A_117 = arith.addf %add3A_106, %mul3A_116 : vector<16xf32>
        %add3A_118 = arith.constant 48 : i32
        %add3A_119 = arith.addi %mul3A_90, %add3A_118 : i32
        %get3A_120 = arith.index_cast %add3A_119 : i32 to index
        %get3A_121 = tpu.vector_load %arg11[%get3A_120] {strides = array<i32>} : memref<17280xf32, #tpu.memory_space<vmem>>, vector<16xf32>,
        %add3A_122 = arith.constant 48 : i32
        %add3A_123 = arith.addi %mul3A_90, %add3A_122 : i32
        %get3A_124 = arith.index_cast %add3A_123 : i32 to index
        %get3A_125 = tpu.vector_load %arg12[%get3A_124] {strides = array<i32>} : memref<17280xf32, #tpu.memory_space<vmem>>, vector<16xf32>,
        %sub3A_126 = arith.subf %get3A_121, %get3A_125 : vector<16xf32>
        %mul3A_127 = arith.mulf %sub3A_126, %sub3A_126 : vector<16xf32>
        %add3A_128 = arith.addf %add3A_117, %mul3A_127 : vector<16xf32>
        %add3A_129 = arith.constant 64 : i32
        %add3A_130 = arith.addi %mul3A_90, %add3A_129 : i32
        %get3A_131 = arith.index_cast %add3A_130 : i32 to index
        %get3A_132 = tpu.vector_load %arg11[%get3A_131] {strides = array<i32>} : memref<17280xf32, #tpu.memory_space<vmem>>, vector<16xf32>,
        %add3A_133 = arith.constant 64 : i32
        %add3A_134 = arith.addi %mul3A_90, %add3A_133 : i32
        %get3A_135 = arith.index_cast %add3A_134 : i32 to index
        %get3A_136 = tpu.vector_load %arg12[%get3A_135] {strides = array<i32>} : memref<17280xf32, #tpu.memory_space<vmem>>, vector<16xf32>,
        %sub3A_137 = arith.subf %get3A_132, %get3A_136 : vector<16xf32>
        %mul3A_138 = arith.mulf %sub3A_137, %sub3A_137 : vector<16xf32>
        %add3A_139 = arith.addf %add3A_128, %mul3A_138 : vector<16xf32>
        %add3A_140 = arith.constant 80 : i32
        %add3A_141 = arith.addi %mul3A_90, %add3A_140 : i32
        %get3A_142 = arith.index_cast %add3A_141 : i32 to index
        %get3A_143 = tpu.vector_load %arg11[%get3A_142] {strides = array<i32>} : memref<17280xf32, #tpu.memory_space<vmem>>, vector<16xf32>,
        %add3A_144 = arith.constant 80 : i32
        %add3A_145 = arith.addi %mul3A_90, %add3A_144 : i32
        %get3A_146 = arith.index_cast %add3A_145 : i32 to index
        %get3A_147 = tpu.vector_load %arg12[%get3A_146] {strides = array<i32>} : memref<17280xf32, #tpu.memory_space<vmem>>, vector<16xf32>,
        %sub3A_148 = arith.subf %get3A_143, %get3A_147 : vector<16xf32>
        %mul3A_149 = arith.mulf %sub3A_148, %sub3A_148 : vector<16xf32>
        %add3A_150 = arith.addf %add3A_139, %mul3A_149 : vector<16xf32>
        %add3A_151 = arith.constant 96 : i32
        %add3A_152 = arith.addi %mul3A_90, %add3A_151 : i32
        %get3A_153 = arith.index_cast %add3A_152 : i32 to index
        %get3A_154 = tpu.vector_load %arg11[%get3A_153] {strides = array<i32>} : memref<17280xf32, #tpu.memory_space<vmem>>, vector<16xf32>,
        %add3A_155 = arith.constant 96 : i32
        %add3A_156 = arith.addi %mul3A_90, %add3A_155 : i32
        %get3A_157 = arith.index_cast %add3A_156 : i32 to index
        %get3A_158 = tpu.vector_load %arg12[%get3A_157] {strides = array<i32>} : memref<17280xf32, #tpu.memory_space<vmem>>, vector<16xf32>,
        %sub3A_159 = arith.subf %get3A_154, %get3A_158 : vector<16xf32>
        %mul3A_160 = arith.mulf %sub3A_159, %sub3A_159 : vector<16xf32>
        %add3A_161 = arith.addf %add3A_150, %mul3A_160 : vector<16xf32>
        %add3A_162 = arith.constant 112 : i32
        %add3A_163 = arith.addi %mul3A_90, %add3A_162 : i32
        %get3A_164 = arith.index_cast %add3A_163 : i32 to index
        %get3A_165 = tpu.vector_load %arg11[%get3A_164] {strides = array<i32>} : memref<17280xf32, #tpu.memory_space<vmem>>, vector<16xf32>,
        %add3A_166 = arith.constant 112 : i32
        %add3A_167 = arith.addi %mul3A_90, %add3A_166 : i32
        %get3A_168 = arith.index_cast %add3A_167 : i32 to index
        %get3A_169 = tpu.vector_load %arg12[%get3A_168] {strides = array<i32>} : memref<17280xf32, #tpu.memory_space<vmem>>, vector<16xf32>,
        %sub3A_170 = arith.subf %get3A_165, %get3A_169 : vector<16xf32>
        %mul3A_171 = arith.mulf %sub3A_170, %sub3A_170 : vector<16xf32>
        %add3A_172 = arith.addf %add3A_161, %mul3A_171 : vector<16xf32>
        %mul3A_173 = arith.constant 16 : i32
        %mul3A_174 = vector.broadcast %mul3A_173 : i32 to vector<16xi32>
        %mul3A_175 = arith.muli %gather3A, %mul3A_174 : vector<16xi32>
        %add3A_176 = arith.addi %mul3A_175, %iota3A : vector<16xi32>
        %mul3A_177 = arith.constant 7.812500e-03 : f32
        %mul3A_178 = vector.broadcast %mul3A_177 : f32 to vector<16xf32>
        %mul3A_179 = arith.mulf %add3A_172, %mul3A_178 : vector<16xf32>
        tpu.vector_store_idx %arg9[%add3A_176], %mul3A_179 {add = true} : memref<8192xf32, #tpu.memory_space<vmem>>[vector<16xi32>], vector<16xf32>,
      }
      %scan3A_56 = arith.constant 135 : i32
      %mul3A_57 = arith.constant 2 : i32
      %mul3A_58 = arith.muli %scan3A_34, %mul3A_57 : i32
      %add3A_59 = arith.constant 1 : i32
      %add3A_60 = arith.addi %mul3A_58, %add3A_59 : i32
      %dma_wait3A_61 = arith.constant 0 : i32
      %dma_wait3A_62 = tpu.memref_slice %arg3[%dma_wait3A_61] : memref<40960000xf32, #tpu.memory_space<hbm>> -> memref<17280xf32, #tpu.memory_space<hbm>>
      %dma_wait3A_63 = arith.constant 0 : i32
      %dma_wait3A_64 = tpu.memref_slice %arg3[%dma_wait3A_63] : memref<40960000xf32, #tpu.memory_space<hbm>> -> memref<17280xf32, #tpu.memory_space<hbm>>
      tpu.wait_dma2 semaphore(%arg16 : memref<!tpu.dma_semaphore, #tpu.memory_space<semaphore_mem>>) src(%dma_wait3A_64 : memref<17280xf32, #tpu.memory_space<hbm>>) dst(%arg13 : memref<17280xf32, #tpu.memory_space<vmem>>)
      %dma_wait3A_65 = arith.constant 0 : i32
      %dma_wait3A_66 = tpu.memref_slice %arg4[%dma_wait3A_65] : memref<40960000xf32, #tpu.memory_space<hbm>> -> memref<17280xf32, #tpu.memory_space<hbm>>
      %dma_wait3A_67 = arith.constant 0 : i32
      %dma_wait3A_68 = tpu.memref_slice %arg4[%dma_wait3A_67] : memref<40960000xf32, #tpu.memory_space<hbm>> -> memref<17280xf32, #tpu.memory_space<hbm>>
      tpu.wait_dma2 semaphore(%arg16 : memref<!tpu.dma_semaphore, #tpu.memory_space<semaphore_mem>>) src(%dma_wait3A_68 : memref<17280xf32, #tpu.memory_space<hbm>>) dst(%arg14 : memref<17280xf32, #tpu.memory_space<vmem>>)
      %add3A_69 = arith.constant 2 : i32
      %add3A_70 = arith.addi %add3A_60, %add3A_69 : i32
      %sub3A_71 = arith.constant 1 : i32
      %sub3A_72 = arith.subi %add3A_70, %sub3A_71 : i32
      %lt3A_73 = arith.constant 32 : i32
      %lt3A_74 = arith.cmpi slt, %sub3A_72, %lt3A_73 : i32
      %convert_element_type3A_75 = arith.extui %lt3A_74 : i1 to i32
      %cond3A_76 = arith.constant 0 : i32
      %cond3A_77 = arith.cmpi ne, %convert_element_type3A_75, %cond3A_76 : i32
      scf.if %cond3A_77 {
        %add3A_84 = arith.constant 2 : i32
        %add3A_85 = arith.addi %add3A_60, %add3A_84 : i32
        %sub3A_86 = arith.constant 1 : i32
        %sub3A_87 = arith.subi %add3A_85, %sub3A_86 : i32
        %mul3A_88 = arith.constant 135 : i32
        %mul3A_89 = arith.muli %sub3A_87, %mul3A_88 : i32
        %add3A_90 = arith.addi %add3A_4, %mul3A_89 : i32
        %mul3A_91 = arith.constant 128 : i32
        %mul3A_92 = arith.muli %add3A_90, %mul3A_91 : i32
        %dma_start3A_93 = tpu.memref_slice %arg3[%mul3A_92] : memref<40960000xf32, #tpu.memory_space<hbm>> -> memref<17280xf32, #tpu.memory_space<hbm>>
        %dma_start3A_94 = tpu.memref_slice %arg3[%mul3A_92] : memref<40960000xf32, #tpu.memory_space<hbm>> -> memref<17280xf32, #tpu.memory_space<hbm>>
        tpu.enqueue_dma source(%dma_start3A_94 : memref<17280xf32, #tpu.memory_space<hbm>>) target(%arg11 : memref<17280xf32, #tpu.memory_space<vmem>>) target_semaphore(%arg15 : memref<!tpu.dma_semaphore, #tpu.memory_space<semaphore_mem>>)
        %dma_start3A_95 = tpu.memref_slice %arg4[%mul3A_92] : memref<40960000xf32, #tpu.memory_space<hbm>> -> memref<17280xf32, #tpu.memory_space<hbm>>
        %dma_start3A_96 = tpu.memref_slice %arg4[%mul3A_92] : memref<40960000xf32, #tpu.memory_space<hbm>> -> memref<17280xf32, #tpu.memory_space<hbm>>
        tpu.enqueue_dma source(%dma_start3A_96 : memref<17280xf32, #tpu.memory_space<hbm>>) target(%arg12 : memref<17280xf32, #tpu.memory_space<vmem>>) target_semaphore(%arg15 : memref<!tpu.dma_semaphore, #tpu.memory_space<semaphore_mem>>)
      } else {
      }
      %scan3A_78 = arith.constant 0 : i32
      %scan3A_79 = arith.constant 0 : i32
      %scan3A_80 = arith.constant 135 : i32
      %scan3A_81 = arith.addi %scan3A_79, %scan3A_80 : i32
      %scan3A_82 = arith.constant 1 : i32
      scf.for %scan3A_84 = %scan3A_79 to %scan3A_81 step %scan3A_82  : i32 {
        %mul3A_85 = arith.constant 135 : i32
        %mul3A_86 = arith.muli %add3A_60, %mul3A_85 : i32
        %add3A_87 = arith.addi %mul3A_86, %scan3A_84 : i32
        %broadcast_in_dim3A_88 = vector.broadcast %add3A_87 : i32 to vector<16xi32>
        %gather3A = tpu.vector_load_idx %arg8[%broadcast_in_dim3A_88] : memref<4320xi32, #tpu.memory_space<vmem>>[vector<16xi32>], vector<16xi32>,
        %mul3A_89 = arith.constant 128 : i32
        %mul3A_90 = arith.muli %scan3A_84, %mul3A_89 : i32
        %get3A = arith.index_cast %mul3A_90 : i32 to index
        %get3A_91 = tpu.vector_load %arg13[%get3A] {strides = array<i32>} : memref<17280xf32, #tpu.memory_space<vmem>>, vector<16xf32>,
        %get3A_92 = arith.index_cast %mul3A_90 : i32 to index
        %get3A_93 = tpu.vector_load %arg14[%get3A_92] {strides = array<i32>} : memref<17280xf32, #tpu.memory_space<vmem>>, vector<16xf32>,
        %sub3A_94 = arith.subf %get3A_91, %get3A_93 : vector<16xf32>
        %mul3A_95 = arith.mulf %sub3A_94, %sub3A_94 : vector<16xf32>
        %add3A_96 = arith.constant 16 : i32
        %add3A_97 = arith.addi %mul3A_90, %add3A_96 : i32
        %get3A_98 = arith.index_cast %add3A_97 : i32 to index
        %get3A_99 = tpu.vector_load %arg13[%get3A_98] {strides = array<i32>} : memref<17280xf32, #tpu.memory_space<vmem>>, vector<16xf32>,
        %add3A_100 = arith.constant 16 : i32
        %add3A_101 = arith.addi %mul3A_90, %add3A_100 : i32
        %get3A_102 = arith.index_cast %add3A_101 : i32 to index
        %get3A_103 = tpu.vector_load %arg14[%get3A_102] {strides = array<i32>} : memref<17280xf32, #tpu.memory_space<vmem>>, vector<16xf32>,
        %sub3A_104 = arith.subf %get3A_99, %get3A_103 : vector<16xf32>
        %mul3A_105 = arith.mulf %sub3A_104, %sub3A_104 : vector<16xf32>
        %add3A_106 = arith.addf %mul3A_95, %mul3A_105 : vector<16xf32>
        %add3A_107 = arith.constant 32 : i32
        %add3A_108 = arith.addi %mul3A_90, %add3A_107 : i32
        %get3A_109 = arith.index_cast %add3A_108 : i32 to index
        %get3A_110 = tpu.vector_load %arg13[%get3A_109] {strides = array<i32>} : memref<17280xf32, #tpu.memory_space<vmem>>, vector<16xf32>,
        %add3A_111 = arith.constant 32 : i32
        %add3A_112 = arith.addi %mul3A_90, %add3A_111 : i32
        %get3A_113 = arith.index_cast %add3A_112 : i32 to index
        %get3A_114 = tpu.vector_load %arg14[%get3A_113] {strides = array<i32>} : memref<17280xf32, #tpu.memory_space<vmem>>, vector<16xf32>,
        %sub3A_115 = arith.subf %get3A_110, %get3A_114 : vector<16xf32>
        %mul3A_116 = arith.mulf %sub3A_115, %sub3A_115 : vector<16xf32>
        %add3A_117 = arith.addf %add3A_106, %mul3A_116 : vector<16xf32>
        %add3A_118 = arith.constant 48 : i32
        %add3A_119 = arith.addi %mul3A_90, %add3A_118 : i32
        %get3A_120 = arith.index_cast %add3A_119 : i32 to index
        %get3A_121 = tpu.vector_load %arg13[%get3A_120] {strides = array<i32>} : memref<17280xf32, #tpu.memory_space<vmem>>, vector<16xf32>,
        %add3A_122 = arith.constant 48 : i32
        %add3A_123 = arith.addi %mul3A_90, %add3A_122 : i32
        %get3A_124 = arith.index_cast %add3A_123 : i32 to index
        %get3A_125 = tpu.vector_load %arg14[%get3A_124] {strides = array<i32>} : memref<17280xf32, #tpu.memory_space<vmem>>, vector<16xf32>,
        %sub3A_126 = arith.subf %get3A_121, %get3A_125 : vector<16xf32>
        %mul3A_127 = arith.mulf %sub3A_126, %sub3A_126 : vector<16xf32>
        %add3A_128 = arith.addf %add3A_117, %mul3A_127 : vector<16xf32>
        %add3A_129 = arith.constant 64 : i32
        %add3A_130 = arith.addi %mul3A_90, %add3A_129 : i32
        %get3A_131 = arith.index_cast %add3A_130 : i32 to index
        %get3A_132 = tpu.vector_load %arg13[%get3A_131] {strides = array<i32>} : memref<17280xf32, #tpu.memory_space<vmem>>, vector<16xf32>,
        %add3A_133 = arith.constant 64 : i32
        %add3A_134 = arith.addi %mul3A_90, %add3A_133 : i32
        %get3A_135 = arith.index_cast %add3A_134 : i32 to index
        %get3A_136 = tpu.vector_load %arg14[%get3A_135] {strides = array<i32>} : memref<17280xf32, #tpu.memory_space<vmem>>, vector<16xf32>,
        %sub3A_137 = arith.subf %get3A_132, %get3A_136 : vector<16xf32>
        %mul3A_138 = arith.mulf %sub3A_137, %sub3A_137 : vector<16xf32>
        %add3A_139 = arith.addf %add3A_128, %mul3A_138 : vector<16xf32>
        %add3A_140 = arith.constant 80 : i32
        %add3A_141 = arith.addi %mul3A_90, %add3A_140 : i32
        %get3A_142 = arith.index_cast %add3A_141 : i32 to index
        %get3A_143 = tpu.vector_load %arg13[%get3A_142] {strides = array<i32>} : memref<17280xf32, #tpu.memory_space<vmem>>, vector<16xf32>,
        %add3A_144 = arith.constant 80 : i32
        %add3A_145 = arith.addi %mul3A_90, %add3A_144 : i32
        %get3A_146 = arith.index_cast %add3A_145 : i32 to index
        %get3A_147 = tpu.vector_load %arg14[%get3A_146] {strides = array<i32>} : memref<17280xf32, #tpu.memory_space<vmem>>, vector<16xf32>,
        %sub3A_148 = arith.subf %get3A_143, %get3A_147 : vector<16xf32>
        %mul3A_149 = arith.mulf %sub3A_148, %sub3A_148 : vector<16xf32>
        %add3A_150 = arith.addf %add3A_139, %mul3A_149 : vector<16xf32>
        %add3A_151 = arith.constant 96 : i32
        %add3A_152 = arith.addi %mul3A_90, %add3A_151 : i32
        %get3A_153 = arith.index_cast %add3A_152 : i32 to index
        %get3A_154 = tpu.vector_load %arg13[%get3A_153] {strides = array<i32>} : memref<17280xf32, #tpu.memory_space<vmem>>, vector<16xf32>,
        %add3A_155 = arith.constant 96 : i32
        %add3A_156 = arith.addi %mul3A_90, %add3A_155 : i32
        %get3A_157 = arith.index_cast %add3A_156 : i32 to index
        %get3A_158 = tpu.vector_load %arg14[%get3A_157] {strides = array<i32>} : memref<17280xf32, #tpu.memory_space<vmem>>, vector<16xf32>,
        %sub3A_159 = arith.subf %get3A_154, %get3A_158 : vector<16xf32>
        %mul3A_160 = arith.mulf %sub3A_159, %sub3A_159 : vector<16xf32>
        %add3A_161 = arith.addf %add3A_150, %mul3A_160 : vector<16xf32>
        %add3A_162 = arith.constant 112 : i32
        %add3A_163 = arith.addi %mul3A_90, %add3A_162 : i32
        %get3A_164 = arith.index_cast %add3A_163 : i32 to index
        %get3A_165 = tpu.vector_load %arg13[%get3A_164] {strides = array<i32>} : memref<17280xf32, #tpu.memory_space<vmem>>, vector<16xf32>,
        %add3A_166 = arith.constant 112 : i32
        %add3A_167 = arith.addi %mul3A_90, %add3A_166 : i32
        %get3A_168 = arith.index_cast %add3A_167 : i32 to index
        %get3A_169 = tpu.vector_load %arg14[%get3A_168] {strides = array<i32>} : memref<17280xf32, #tpu.memory_space<vmem>>, vector<16xf32>,
        %sub3A_170 = arith.subf %get3A_165, %get3A_169 : vector<16xf32>
        %mul3A_171 = arith.mulf %sub3A_170, %sub3A_170 : vector<16xf32>
        %add3A_172 = arith.addf %add3A_161, %mul3A_171 : vector<16xf32>
        %mul3A_173 = arith.constant 16 : i32
        %mul3A_174 = vector.broadcast %mul3A_173 : i32 to vector<16xi32>
        %mul3A_175 = arith.muli %gather3A, %mul3A_174 : vector<16xi32>
        %add3A_176 = arith.addi %mul3A_175, %iota3A : vector<16xi32>
        %mul3A_177 = arith.constant 7.812500e-03 : f32
        %mul3A_178 = vector.broadcast %mul3A_177 : f32 to vector<16xf32>
        %mul3A_179 = arith.mulf %add3A_172, %mul3A_178 : vector<16xf32>
        tpu.vector_store_idx %arg9[%add3A_176], %mul3A_179 {add = true} : memref<8192xf32, #tpu.memory_space<vmem>>[vector<16xi32>], vector<16xf32>,
      }
      %scan3A_83 = arith.constant 135 : i32
    }
    %scan3A_33 = arith.constant 16 : i32
    "tpu.region"() ({
      %run_scoped3A = tpu.sem_alloc : memref<!tpu.dma_semaphore, #tpu.memory_space<semaphore_mem>>
      %dma_start3A_34 = arith.constant 0 : i32
      %dma_start3A_35 = tpu.memref_slice %arg5[%add3A, %dma_start3A_34] : memref<32x8192xf32, #tpu.memory_space<hbm>> -> memref<1x8192xf32, #tpu.memory_space<hbm>>
      %dma_start3A_36 = tpu.memref_squeeze %dma_start3A_35 : memref<1x8192xf32, #tpu.memory_space<hbm>> -> memref<8192xf32, #tpu.memory_space<hbm>>
      %dma_start3A_37 = arith.constant 0 : i32
      %dma_start3A_38 = tpu.memref_slice %arg5[%add3A, %dma_start3A_37] : memref<32x8192xf32, #tpu.memory_space<hbm>> -> memref<1x8192xf32, #tpu.memory_space<hbm>>
      %dma_start3A_39 = tpu.memref_squeeze %dma_start3A_38 : memref<1x8192xf32, #tpu.memory_space<hbm>> -> memref<8192xf32, #tpu.memory_space<hbm>>
      tpu.enqueue_dma source(%arg9 : memref<8192xf32, #tpu.memory_space<vmem>>) target(%dma_start3A_39 : memref<8192xf32, #tpu.memory_space<hbm>>) target_semaphore(%run_scoped3A : memref<!tpu.dma_semaphore, #tpu.memory_space<semaphore_mem>>)
      %dma_wait3A = arith.constant 0 : i32
      %dma_wait3A_40 = tpu.memref_slice %arg5[%add3A, %dma_wait3A] : memref<32x8192xf32, #tpu.memory_space<hbm>> -> memref<1x8192xf32, #tpu.memory_space<hbm>>
      %dma_wait3A_41 = tpu.memref_squeeze %dma_wait3A_40 : memref<1x8192xf32, #tpu.memory_space<hbm>> -> memref<8192xf32, #tpu.memory_space<hbm>>
      %dma_wait3A_42 = arith.constant 0 : i32
      %dma_wait3A_43 = tpu.memref_slice %arg5[%add3A, %dma_wait3A_42] : memref<32x8192xf32, #tpu.memory_space<hbm>> -> memref<1x8192xf32, #tpu.memory_space<hbm>>
      %dma_wait3A_44 = tpu.memref_squeeze %dma_wait3A_43 : memref<1x8192xf32, #tpu.memory_space<hbm>> -> memref<8192xf32, #tpu.memory_space<hbm>>
      tpu.wait_dma2 semaphore(%run_scoped3A : memref<!tpu.dma_semaphore, #tpu.memory_space<semaphore_mem>>) src(%arg9 : memref<8192xf32, #tpu.memory_space<vmem>>) dst(%dma_wait3A_44 : memref<8192xf32, #tpu.memory_space<hbm>>)
      tpu.yield
    }) : () -> ()
    "tpu.region"() ({
      %run_scoped3A = tpu.sem_alloc : memref<!tpu.dma_semaphore, #tpu.memory_space<semaphore_mem>>
      %dma_start3A_34 = arith.constant 0 : i32
      %dma_start3A_35 = tpu.memref_slice %arg6[%add3A, %dma_start3A_34] : memref<32x8192xf32, #tpu.memory_space<hbm>> -> memref<1x8192xf32, #tpu.memory_space<hbm>>
      %dma_start3A_36 = tpu.memref_squeeze %dma_start3A_35 : memref<1x8192xf32, #tpu.memory_space<hbm>> -> memref<8192xf32, #tpu.memory_space<hbm>>
      %dma_start3A_37 = arith.constant 0 : i32
      %dma_start3A_38 = tpu.memref_slice %arg6[%add3A, %dma_start3A_37] : memref<32x8192xf32, #tpu.memory_space<hbm>> -> memref<1x8192xf32, #tpu.memory_space<hbm>>
      %dma_start3A_39 = tpu.memref_squeeze %dma_start3A_38 : memref<1x8192xf32, #tpu.memory_space<hbm>> -> memref<8192xf32, #tpu.memory_space<hbm>>
      tpu.enqueue_dma source(%arg10 : memref<8192xf32, #tpu.memory_space<vmem>>) target(%dma_start3A_39 : memref<8192xf32, #tpu.memory_space<hbm>>) target_semaphore(%run_scoped3A : memref<!tpu.dma_semaphore, #tpu.memory_space<semaphore_mem>>)
      %dma_wait3A = arith.constant 0 : i32
      %dma_wait3A_40 = tpu.memref_slice %arg6[%add3A, %dma_wait3A] : memref<32x8192xf32, #tpu.memory_space<hbm>> -> memref<1x8192xf32, #tpu.memory_space<hbm>>
      %dma_wait3A_41 = tpu.memref_squeeze %dma_wait3A_40 : memref<1x8192xf32, #tpu.memory_space<hbm>> -> memref<8192xf32, #tpu.memory_space<hbm>>
      %dma_wait3A_42 = arith.constant 0 : i32
      %dma_wait3A_43 = tpu.memref_slice %arg6[%add3A, %dma_wait3A_42] : memref<32x8192xf32, #tpu.memory_space<hbm>> -> memref<1x8192xf32, #tpu.memory_space<hbm>>
      %dma_wait3A_44 = tpu.memref_squeeze %dma_wait3A_43 : memref<1x8192xf32, #tpu.memory_space<hbm>> -> memref<8192xf32, #tpu.memory_space<hbm>>
      tpu.wait_dma2 semaphore(%run_scoped3A : memref<!tpu.dma_semaphore, #tpu.memory_space<semaphore_mem>>) src(%arg10 : memref<8192xf32, #tpu.memory_space<vmem>>) dst(%dma_wait3A_44 : memref<8192xf32, #tpu.memory_space<hbm>>)
      tpu.yield
    }) : () -> ()
    return
  }
}

#map = affine_map<(d0, d1) -> (0)>
#map1 = affine_map<(d0, d1) -> (0, 0)>
module attributes {stable_mosaic.version = 14 : i64} {
  func.func @_sc_head_body(%arg0: i32, %arg1: i32, %arg2: memref<181760xf32, #tpu.memory_space<hbm>>, %arg3: memref<320000xi32, #tpu.memory_space<hbm>>, %arg4: memref<32x8192xf32, #tpu.memory_space<hbm>>, %arg5: memref<32x8192xf32, #tpu.memory_space<hbm>>, %arg6: memref<5680xf32, #tpu.memory_space<vmem>>, %arg7: memref<5680xi32, #tpu.memory_space<vmem>>, %arg8: memref<8192xf32, #tpu.memory_space<vmem>>, %arg9: memref<!tpu.dma_semaphore, #tpu.memory_space<semaphore_mem>>, %arg10: memref<!tpu.dma_semaphore, #tpu.memory_space<semaphore_mem>>, %arg11: memref<!tpu.dma_semaphore, #tpu.memory_space<semaphore_mem>>) attributes {dimension_semantics = [#tpu.dimension_semantics<core_parallel>, #tpu.dimension_semantics<subcore_parallel>], iteration_bounds = array<i64: 2, 16>, scalar_prefetch = 0 : i64, scratch_operands = 6 : i64, tpu.core_type = #tpu.core_type<sc_vector_subcore>, window_params = [{transform_indices = #map}, {transform_indices = #map}, {transform_indices = #map1}, {transform_indices = #map1}]} {
    %mul3A = arith.constant 2 : i32
    %mul3A_0 = arith.muli %arg1, %mul3A : i32
    %add3A = arith.addi %mul3A_0, %arg0 : i32
    %mul3A_1 = arith.constant 5680 : i32
    %mul3A_2 = arith.muli %add3A, %mul3A_1 : i32
    %dma_start3A = tpu.memref_slice %arg2[%mul3A_2] : memref<181760xf32, #tpu.memory_space<hbm>> -> memref<5680xf32, #tpu.memory_space<hbm>>
    %dma_start3A_3 = tpu.memref_slice %arg2[%mul3A_2] : memref<181760xf32, #tpu.memory_space<hbm>> -> memref<5680xf32, #tpu.memory_space<hbm>>
    tpu.enqueue_dma source(%dma_start3A_3 : memref<5680xf32, #tpu.memory_space<hbm>>) target(%arg6 : memref<5680xf32, #tpu.memory_space<vmem>>) target_semaphore(%arg9 : memref<!tpu.dma_semaphore, #tpu.memory_space<semaphore_mem>>)
    %mul3A_4 = arith.constant 5680 : i32
    %mul3A_5 = arith.muli %add3A, %mul3A_4 : i32
    %dma_start3A_6 = tpu.memref_slice %arg3[%mul3A_5] : memref<320000xi32, #tpu.memory_space<hbm>> -> memref<5680xi32, #tpu.memory_space<hbm>>
    %dma_start3A_7 = tpu.memref_slice %arg3[%mul3A_5] : memref<320000xi32, #tpu.memory_space<hbm>> -> memref<5680xi32, #tpu.memory_space<hbm>>
    tpu.enqueue_dma source(%dma_start3A_7 : memref<5680xi32, #tpu.memory_space<hbm>>) target(%arg7 : memref<5680xi32, #tpu.memory_space<vmem>>) target_semaphore(%arg10 : memref<!tpu.dma_semaphore, #tpu.memory_space<semaphore_mem>>)
    %dma_start3A_8 = arith.constant 0 : i32
    %dma_start3A_9 = tpu.memref_slice %arg4[%add3A, %dma_start3A_8] : memref<32x8192xf32, #tpu.memory_space<hbm>> -> memref<1x8192xf32, #tpu.memory_space<hbm>>
    %dma_start3A_10 = tpu.memref_squeeze %dma_start3A_9 : memref<1x8192xf32, #tpu.memory_space<hbm>> -> memref<8192xf32, #tpu.memory_space<hbm>>
    %dma_start3A_11 = arith.constant 0 : i32
    %dma_start3A_12 = tpu.memref_slice %arg4[%add3A, %dma_start3A_11] : memref<32x8192xf32, #tpu.memory_space<hbm>> -> memref<1x8192xf32, #tpu.memory_space<hbm>>
    %dma_start3A_13 = tpu.memref_squeeze %dma_start3A_12 : memref<1x8192xf32, #tpu.memory_space<hbm>> -> memref<8192xf32, #tpu.memory_space<hbm>>
    tpu.enqueue_dma source(%dma_start3A_13 : memref<8192xf32, #tpu.memory_space<hbm>>) target(%arg8 : memref<8192xf32, #tpu.memory_space<vmem>>) target_semaphore(%arg11 : memref<!tpu.dma_semaphore, #tpu.memory_space<semaphore_mem>>)
    %dma_wait3A = tpu.memref_slice %arg2[%mul3A_2] : memref<181760xf32, #tpu.memory_space<hbm>> -> memref<5680xf32, #tpu.memory_space<hbm>>
    %dma_wait3A_14 = tpu.memref_slice %arg2[%mul3A_2] : memref<181760xf32, #tpu.memory_space<hbm>> -> memref<5680xf32, #tpu.memory_space<hbm>>
    tpu.wait_dma2 semaphore(%arg9 : memref<!tpu.dma_semaphore, #tpu.memory_space<semaphore_mem>>) src(%dma_wait3A_14 : memref<5680xf32, #tpu.memory_space<hbm>>) dst(%arg6 : memref<5680xf32, #tpu.memory_space<vmem>>)
    %dma_wait3A_15 = tpu.memref_slice %arg3[%mul3A_5] : memref<320000xi32, #tpu.memory_space<hbm>> -> memref<5680xi32, #tpu.memory_space<hbm>>
    %dma_wait3A_16 = tpu.memref_slice %arg3[%mul3A_5] : memref<320000xi32, #tpu.memory_space<hbm>> -> memref<5680xi32, #tpu.memory_space<hbm>>
    tpu.wait_dma2 semaphore(%arg10 : memref<!tpu.dma_semaphore, #tpu.memory_space<semaphore_mem>>) src(%dma_wait3A_16 : memref<5680xi32, #tpu.memory_space<hbm>>) dst(%arg7 : memref<5680xi32, #tpu.memory_space<vmem>>)
    %dma_wait3A_17 = arith.constant 0 : i32
    %dma_wait3A_18 = tpu.memref_slice %arg4[%add3A, %dma_wait3A_17] : memref<32x8192xf32, #tpu.memory_space<hbm>> -> memref<1x8192xf32, #tpu.memory_space<hbm>>
    %dma_wait3A_19 = tpu.memref_squeeze %dma_wait3A_18 : memref<1x8192xf32, #tpu.memory_space<hbm>> -> memref<8192xf32, #tpu.memory_space<hbm>>
    %dma_wait3A_20 = arith.constant 0 : i32
    %dma_wait3A_21 = tpu.memref_slice %arg4[%add3A, %dma_wait3A_20] : memref<32x8192xf32, #tpu.memory_space<hbm>> -> memref<1x8192xf32, #tpu.memory_space<hbm>>
    %dma_wait3A_22 = tpu.memref_squeeze %dma_wait3A_21 : memref<1x8192xf32, #tpu.memory_space<hbm>> -> memref<8192xf32, #tpu.memory_space<hbm>>
    tpu.wait_dma2 semaphore(%arg11 : memref<!tpu.dma_semaphore, #tpu.memory_space<semaphore_mem>>) src(%dma_wait3A_22 : memref<8192xf32, #tpu.memory_space<hbm>>) dst(%arg8 : memref<8192xf32, #tpu.memory_space<vmem>>)
    %iota3A = tpu.iota {dimensions = array<i32: 0>} : vector<16xi32>
    %scan3A = arith.constant 0 : i32
    %scan3A_23 = arith.constant 0 : i32
    %scan3A_24 = arith.constant 355 : i32
    %scan3A_25 = arith.addi %scan3A_23, %scan3A_24 : i32
    %scan3A_26 = arith.constant 1 : i32
    scf.for %scan3A_28 = %scan3A_23 to %scan3A_25 step %scan3A_26  : i32 {
      %mul3A_29 = arith.constant 16 : i32
      %mul3A_30 = arith.muli %scan3A_28, %mul3A_29 : i32
      %get3A = arith.index_cast %mul3A_30 : i32 to index
      %get3A_31 = tpu.vector_load %arg6[%get3A] {strides = array<i32>} : memref<5680xf32, #tpu.memory_space<vmem>>, vector<16xf32>,
      %mul3A_32 = arith.constant 16 : i32
      %mul3A_33 = arith.muli %scan3A_28, %mul3A_32 : i32
      %get3A_34 = arith.index_cast %mul3A_33 : i32 to index
      %get3A_35 = tpu.vector_load %arg7[%get3A_34] {strides = array<i32>} : memref<5680xi32, #tpu.memory_space<vmem>>, vector<16xi32>,
      %mul3A_36 = arith.constant 16 : i32
      %mul3A_37 = vector.broadcast %mul3A_36 : i32 to vector<16xi32>
      %mul3A_38 = arith.muli %get3A_35, %mul3A_37 : vector<16xi32>
      %add3A_39 = arith.addi %mul3A_38, %iota3A : vector<16xi32>
      tpu.vector_store_idx %arg8[%add3A_39], %get3A_31 {add = true} : memref<8192xf32, #tpu.memory_space<vmem>>[vector<16xi32>], vector<16xf32>,
    }
    %scan3A_27 = arith.constant 355 : i32
    "tpu.region"() ({
      %run_scoped3A = tpu.sem_alloc : memref<!tpu.dma_semaphore, #tpu.memory_space<semaphore_mem>>
      %dma_start3A_28 = arith.constant 0 : i32
      %dma_start3A_29 = tpu.memref_slice %arg5[%add3A, %dma_start3A_28] : memref<32x8192xf32, #tpu.memory_space<hbm>> -> memref<1x8192xf32, #tpu.memory_space<hbm>>
      %dma_start3A_30 = tpu.memref_squeeze %dma_start3A_29 : memref<1x8192xf32, #tpu.memory_space<hbm>> -> memref<8192xf32, #tpu.memory_space<hbm>>
      %dma_start3A_31 = arith.constant 0 : i32
      %dma_start3A_32 = tpu.memref_slice %arg5[%add3A, %dma_start3A_31] : memref<32x8192xf32, #tpu.memory_space<hbm>> -> memref<1x8192xf32, #tpu.memory_space<hbm>>
      %dma_start3A_33 = tpu.memref_squeeze %dma_start3A_32 : memref<1x8192xf32, #tpu.memory_space<hbm>> -> memref<8192xf32, #tpu.memory_space<hbm>>
      tpu.enqueue_dma source(%arg8 : memref<8192xf32, #tpu.memory_space<vmem>>) target(%dma_start3A_33 : memref<8192xf32, #tpu.memory_space<hbm>>) target_semaphore(%run_scoped3A : memref<!tpu.dma_semaphore, #tpu.memory_space<semaphore_mem>>)
      %dma_wait3A_34 = arith.constant 0 : i32
      %dma_wait3A_35 = tpu.memref_slice %arg5[%add3A, %dma_wait3A_34] : memref<32x8192xf32, #tpu.memory_space<hbm>> -> memref<1x8192xf32, #tpu.memory_space<hbm>>
      %dma_wait3A_36 = tpu.memref_squeeze %dma_wait3A_35 : memref<1x8192xf32, #tpu.memory_space<hbm>> -> memref<8192xf32, #tpu.memory_space<hbm>>
      %dma_wait3A_37 = arith.constant 0 : i32
      %dma_wait3A_38 = tpu.memref_slice %arg5[%add3A, %dma_wait3A_37] : memref<32x8192xf32, #tpu.memory_space<hbm>> -> memref<1x8192xf32, #tpu.memory_space<hbm>>
      %dma_wait3A_39 = tpu.memref_squeeze %dma_wait3A_38 : memref<1x8192xf32, #tpu.memory_space<hbm>> -> memref<8192xf32, #tpu.memory_space<hbm>>
      tpu.wait_dma2 semaphore(%run_scoped3A : memref<!tpu.dma_semaphore, #tpu.memory_space<semaphore_mem>>) src(%arg8 : memref<8192xf32, #tpu.memory_space<vmem>>) dst(%dma_wait3A_39 : memref<8192xf32, #tpu.memory_space<hbm>>)
      tpu.yield
    }) : () -> ()
    return
  }
}

#map = affine_map<(d0, d1) -> (0, 0)>
#map1 = affine_map<(d0, d1) -> (0)>
module attributes {stable_mosaic.version = 14 : i64} {
  func.func @_sc_phase2_body(%arg0: i32, %arg1: i32, %arg2: memref<32x8192xf32, #tpu.memory_space<hbm>>, %arg3: memref<32x8192xf32, #tpu.memory_space<hbm>>, %arg4: memref<512xf32, #tpu.memory_space<hbm>>, %arg5: memref<32x256xf32, #tpu.memory_space<vmem>>, %arg6: memref<32x256xf32, #tpu.memory_space<vmem>>, %arg7: memref<256xf32, #tpu.memory_space<vmem>>, %arg8: memref<256xf32, #tpu.memory_space<vmem>>, %arg9: memref<16xf32, #tpu.memory_space<vmem>>, %arg10: memref<!tpu.dma_semaphore, #tpu.memory_space<semaphore_mem>>, %arg11: memref<!tpu.dma_semaphore, #tpu.memory_space<semaphore_mem>>) attributes {dimension_semantics = [#tpu.dimension_semantics<core_parallel>, #tpu.dimension_semantics<subcore_parallel>], iteration_bounds = array<i64: 2, 16>, scalar_prefetch = 0 : i64, scratch_operands = 7 : i64, tpu.core_type = #tpu.core_type<sc_vector_subcore>, window_params = [{transform_indices = #map}, {transform_indices = #map}, {transform_indices = #map1}]} {
    %mul3A = arith.constant 2 : i32
    %mul3A_0 = arith.muli %arg1, %mul3A : i32
    %add3A = arith.addi %mul3A_0, %arg0 : i32
    %mul3A_1 = arith.constant 256 : i32
    %mul3A_2 = arith.muli %add3A, %mul3A_1 : i32
    %dma_start3A = arith.constant 0 : i32
    %dma_start3A_3 = tpu.memref_slice %arg2[%dma_start3A, %mul3A_2] : memref<32x8192xf32, #tpu.memory_space<hbm>> -> memref<32x256xf32, #tpu.memory_space<hbm>>
    %dma_start3A_4 = arith.constant 0 : i32
    %dma_start3A_5 = tpu.memref_slice %arg2[%dma_start3A_4, %mul3A_2] : memref<32x8192xf32, #tpu.memory_space<hbm>> -> memref<32x256xf32, #tpu.memory_space<hbm>>
    tpu.enqueue_dma source(%dma_start3A_5 : memref<32x256xf32, #tpu.memory_space<hbm>>) target(%arg5 : memref<32x256xf32, #tpu.memory_space<vmem>>) target_semaphore(%arg10 : memref<!tpu.dma_semaphore, #tpu.memory_space<semaphore_mem>>)
    %dma_start3A_6 = arith.constant 0 : i32
    %dma_start3A_7 = tpu.memref_slice %arg3[%dma_start3A_6, %mul3A_2] : memref<32x8192xf32, #tpu.memory_space<hbm>> -> memref<32x256xf32, #tpu.memory_space<hbm>>
    %dma_start3A_8 = arith.constant 0 : i32
    %dma_start3A_9 = tpu.memref_slice %arg3[%dma_start3A_8, %mul3A_2] : memref<32x8192xf32, #tpu.memory_space<hbm>> -> memref<32x256xf32, #tpu.memory_space<hbm>>
    tpu.enqueue_dma source(%dma_start3A_9 : memref<32x256xf32, #tpu.memory_space<hbm>>) target(%arg6 : memref<32x256xf32, #tpu.memory_space<vmem>>) target_semaphore(%arg11 : memref<!tpu.dma_semaphore, #tpu.memory_space<semaphore_mem>>)
    %dma_wait3A = arith.constant 0 : i32
    %dma_wait3A_10 = tpu.memref_slice %arg2[%dma_wait3A, %mul3A_2] : memref<32x8192xf32, #tpu.memory_space<hbm>> -> memref<32x256xf32, #tpu.memory_space<hbm>>
    %dma_wait3A_11 = arith.constant 0 : i32
    %dma_wait3A_12 = tpu.memref_slice %arg2[%dma_wait3A_11, %mul3A_2] : memref<32x8192xf32, #tpu.memory_space<hbm>> -> memref<32x256xf32, #tpu.memory_space<hbm>>
    tpu.wait_dma2 semaphore(%arg10 : memref<!tpu.dma_semaphore, #tpu.memory_space<semaphore_mem>>) src(%dma_wait3A_12 : memref<32x256xf32, #tpu.memory_space<hbm>>) dst(%arg5 : memref<32x256xf32, #tpu.memory_space<vmem>>)
    %dma_wait3A_13 = arith.constant 0 : i32
    %dma_wait3A_14 = tpu.memref_slice %arg3[%dma_wait3A_13, %mul3A_2] : memref<32x8192xf32, #tpu.memory_space<hbm>> -> memref<32x256xf32, #tpu.memory_space<hbm>>
    %dma_wait3A_15 = arith.constant 0 : i32
    %dma_wait3A_16 = tpu.memref_slice %arg3[%dma_wait3A_15, %mul3A_2] : memref<32x8192xf32, #tpu.memory_space<hbm>> -> memref<32x256xf32, #tpu.memory_space<hbm>>
    tpu.wait_dma2 semaphore(%arg11 : memref<!tpu.dma_semaphore, #tpu.memory_space<semaphore_mem>>) src(%dma_wait3A_16 : memref<32x256xf32, #tpu.memory_space<hbm>>) dst(%arg6 : memref<32x256xf32, #tpu.memory_space<vmem>>)
    %broadcast_in_dim3A = arith.constant 0.000000e+00 : f32
    %broadcast_in_dim3A_17 = vector.broadcast %broadcast_in_dim3A : f32 to vector<16xf32>
    %swap3A = arith.constant 0 : index
    %swap3A_18 = tpu.vector_load %arg7[%swap3A] {strides = array<i32>} : memref<256xf32, #tpu.memory_space<vmem>>, vector<16xf32>,
    tpu.vector_store %arg7[%swap3A], %broadcast_in_dim3A_17 {strides = array<i32>} : memref<256xf32, #tpu.memory_space<vmem>>, vector<16xf32>,
    %swap3A_19 = arith.constant 0 : index
    %swap3A_20 = tpu.vector_load %arg8[%swap3A_19] {strides = array<i32>} : memref<256xf32, #tpu.memory_space<vmem>>, vector<16xf32>,
    tpu.vector_store %arg8[%swap3A_19], %broadcast_in_dim3A_17 {strides = array<i32>} : memref<256xf32, #tpu.memory_space<vmem>>, vector<16xf32>,
    %swap3A_21 = arith.constant 16 : index
    %swap3A_22 = tpu.vector_load %arg7[%swap3A_21] {strides = array<i32>} : memref<256xf32, #tpu.memory_space<vmem>>, vector<16xf32>,
    tpu.vector_store %arg7[%swap3A_21], %broadcast_in_dim3A_17 {strides = array<i32>} : memref<256xf32, #tpu.memory_space<vmem>>, vector<16xf32>,
    %swap3A_23 = arith.constant 16 : index
    %swap3A_24 = tpu.vector_load %arg8[%swap3A_23] {strides = array<i32>} : memref<256xf32, #tpu.memory_space<vmem>>, vector<16xf32>,
    tpu.vector_store %arg8[%swap3A_23], %broadcast_in_dim3A_17 {strides = array<i32>} : memref<256xf32, #tpu.memory_space<vmem>>, vector<16xf32>,
    %swap3A_25 = arith.constant 32 : index
    %swap3A_26 = tpu.vector_load %arg7[%swap3A_25] {strides = array<i32>} : memref<256xf32, #tpu.memory_space<vmem>>, vector<16xf32>,
    tpu.vector_store %arg7[%swap3A_25], %broadcast_in_dim3A_17 {strides = array<i32>} : memref<256xf32, #tpu.memory_space<vmem>>, vector<16xf32>,
    %swap3A_27 = arith.constant 32 : index
    %swap3A_28 = tpu.vector_load %arg8[%swap3A_27] {strides = array<i32>} : memref<256xf32, #tpu.memory_space<vmem>>, vector<16xf32>,
    tpu.vector_store %arg8[%swap3A_27], %broadcast_in_dim3A_17 {strides = array<i32>} : memref<256xf32, #tpu.memory_space<vmem>>, vector<16xf32>,
    %swap3A_29 = arith.constant 48 : index
    %swap3A_30 = tpu.vector_load %arg7[%swap3A_29] {strides = array<i32>} : memref<256xf32, #tpu.memory_space<vmem>>, vector<16xf32>,
    tpu.vector_store %arg7[%swap3A_29], %broadcast_in_dim3A_17 {strides = array<i32>} : memref<256xf32, #tpu.memory_space<vmem>>, vector<16xf32>,
    %swap3A_31 = arith.constant 48 : index
    %swap3A_32 = tpu.vector_load %arg8[%swap3A_31] {strides = array<i32>} : memref<256xf32, #tpu.memory_space<vmem>>, vector<16xf32>,
    tpu.vector_store %arg8[%swap3A_31], %broadcast_in_dim3A_17 {strides = array<i32>} : memref<256xf32, #tpu.memory_space<vmem>>, vector<16xf32>,
    %swap3A_33 = arith.constant 64 : index
    %swap3A_34 = tpu.vector_load %arg7[%swap3A_33] {strides = array<i32>} : memref<256xf32, #tpu.memory_space<vmem>>, vector<16xf32>,
    tpu.vector_store %arg7[%swap3A_33], %broadcast_in_dim3A_17 {strides = array<i32>} : memref<256xf32, #tpu.memory_space<vmem>>, vector<16xf32>,
    %swap3A_35 = arith.constant 64 : index
    %swap3A_36 = tpu.vector_load %arg8[%swap3A_35] {strides = array<i32>} : memref<256xf32, #tpu.memory_space<vmem>>, vector<16xf32>,
    tpu.vector_store %arg8[%swap3A_35], %broadcast_in_dim3A_17 {strides = array<i32>} : memref<256xf32, #tpu.memory_space<vmem>>, vector<16xf32>,
    %swap3A_37 = arith.constant 80 : index
    %swap3A_38 = tpu.vector_load %arg7[%swap3A_37] {strides = array<i32>} : memref<256xf32, #tpu.memory_space<vmem>>, vector<16xf32>,
    tpu.vector_store %arg7[%swap3A_37], %broadcast_in_dim3A_17 {strides = array<i32>} : memref<256xf32, #tpu.memory_space<vmem>>, vector<16xf32>,
    %swap3A_39 = arith.constant 80 : index
    %swap3A_40 = tpu.vector_load %arg8[%swap3A_39] {strides = array<i32>} : memref<256xf32, #tpu.memory_space<vmem>>, vector<16xf32>,
    tpu.vector_store %arg8[%swap3A_39], %broadcast_in_dim3A_17 {strides = array<i32>} : memref<256xf32, #tpu.memory_space<vmem>>, vector<16xf32>,
    %swap3A_41 = arith.constant 96 : index
    %swap3A_42 = tpu.vector_load %arg7[%swap3A_41] {strides = array<i32>} : memref<256xf32, #tpu.memory_space<vmem>>, vector<16xf32>,
    tpu.vector_store %arg7[%swap3A_41], %broadcast_in_dim3A_17 {strides = array<i32>} : memref<256xf32, #tpu.memory_space<vmem>>, vector<16xf32>,
    %swap3A_43 = arith.constant 96 : index
    %swap3A_44 = tpu.vector_load %arg8[%swap3A_43] {strides = array<i32>} : memref<256xf32, #tpu.memory_space<vmem>>, vector<16xf32>,
    tpu.vector_store %arg8[%swap3A_43], %broadcast_in_dim3A_17 {strides = array<i32>} : memref<256xf32, #tpu.memory_space<vmem>>, vector<16xf32>,
    %swap3A_45 = arith.constant 112 : index
    %swap3A_46 = tpu.vector_load %arg7[%swap3A_45] {strides = array<i32>} : memref<256xf32, #tpu.memory_space<vmem>>, vector<16xf32>,
    tpu.vector_store %arg7[%swap3A_45], %broadcast_in_dim3A_17 {strides = array<i32>} : memref<256xf32, #tpu.memory_space<vmem>>, vector<16xf32>,
    %swap3A_47 = arith.constant 112 : index
    %swap3A_48 = tpu.vector_load %arg8[%swap3A_47] {strides = array<i32>} : memref<256xf32, #tpu.memory_space<vmem>>, vector<16xf32>,
    tpu.vector_store %arg8[%swap3A_47], %broadcast_in_dim3A_17 {strides = array<i32>} : memref<256xf32, #tpu.memory_space<vmem>>, vector<16xf32>,
    %swap3A_49 = arith.constant 128 : index
    %swap3A_50 = tpu.vector_load %arg7[%swap3A_49] {strides = array<i32>} : memref<256xf32, #tpu.memory_space<vmem>>, vector<16xf32>,
    tpu.vector_store %arg7[%swap3A_49], %broadcast_in_dim3A_17 {strides = array<i32>} : memref<256xf32, #tpu.memory_space<vmem>>, vector<16xf32>,
    %swap3A_51 = arith.constant 128 : index
    %swap3A_52 = tpu.vector_load %arg8[%swap3A_51] {strides = array<i32>} : memref<256xf32, #tpu.memory_space<vmem>>, vector<16xf32>,
    tpu.vector_store %arg8[%swap3A_51], %broadcast_in_dim3A_17 {strides = array<i32>} : memref<256xf32, #tpu.memory_space<vmem>>, vector<16xf32>,
    %swap3A_53 = arith.constant 144 : index
    %swap3A_54 = tpu.vector_load %arg7[%swap3A_53] {strides = array<i32>} : memref<256xf32, #tpu.memory_space<vmem>>, vector<16xf32>,
    tpu.vector_store %arg7[%swap3A_53], %broadcast_in_dim3A_17 {strides = array<i32>} : memref<256xf32, #tpu.memory_space<vmem>>, vector<16xf32>,
    %swap3A_55 = arith.constant 144 : index
    %swap3A_56 = tpu.vector_load %arg8[%swap3A_55] {strides = array<i32>} : memref<256xf32, #tpu.memory_space<vmem>>, vector<16xf32>,
    tpu.vector_store %arg8[%swap3A_55], %broadcast_in_dim3A_17 {strides = array<i32>} : memref<256xf32, #tpu.memory_space<vmem>>, vector<16xf32>,
    %swap3A_57 = arith.constant 160 : index
    %swap3A_58 = tpu.vector_load %arg7[%swap3A_57] {strides = array<i32>} : memref<256xf32, #tpu.memory_space<vmem>>, vector<16xf32>,
    tpu.vector_store %arg7[%swap3A_57], %broadcast_in_dim3A_17 {strides = array<i32>} : memref<256xf32, #tpu.memory_space<vmem>>, vector<16xf32>,
    %swap3A_59 = arith.constant 160 : index
    %swap3A_60 = tpu.vector_load %arg8[%swap3A_59] {strides = array<i32>} : memref<256xf32, #tpu.memory_space<vmem>>, vector<16xf32>,
    tpu.vector_store %arg8[%swap3A_59], %broadcast_in_dim3A_17 {strides = array<i32>} : memref<256xf32, #tpu.memory_space<vmem>>, vector<16xf32>,
    %swap3A_61 = arith.constant 176 : index
    %swap3A_62 = tpu.vector_load %arg7[%swap3A_61] {strides = array<i32>} : memref<256xf32, #tpu.memory_space<vmem>>, vector<16xf32>,
    tpu.vector_store %arg7[%swap3A_61], %broadcast_in_dim3A_17 {strides = array<i32>} : memref<256xf32, #tpu.memory_space<vmem>>, vector<16xf32>,
    %swap3A_63 = arith.constant 176 : index
    %swap3A_64 = tpu.vector_load %arg8[%swap3A_63] {strides = array<i32>} : memref<256xf32, #tpu.memory_space<vmem>>, vector<16xf32>,
    tpu.vector_store %arg8[%swap3A_63], %broadcast_in_dim3A_17 {strides = array<i32>} : memref<256xf32, #tpu.memory_space<vmem>>, vector<16xf32>,
    %swap3A_65 = arith.constant 192 : index
    %swap3A_66 = tpu.vector_load %arg7[%swap3A_65] {strides = array<i32>} : memref<256xf32, #tpu.memory_space<vmem>>, vector<16xf32>,
    tpu.vector_store %arg7[%swap3A_65], %broadcast_in_dim3A_17 {strides = array<i32>} : memref<256xf32, #tpu.memory_space<vmem>>, vector<16xf32>,
    %swap3A_67 = arith.constant 192 : index
    %swap3A_68 = tpu.vector_load %arg8[%swap3A_67] {strides = array<i32>} : memref<256xf32, #tpu.memory_space<vmem>>, vector<16xf32>,
    tpu.vector_store %arg8[%swap3A_67], %broadcast_in_dim3A_17 {strides = array<i32>} : memref<256xf32, #tpu.memory_space<vmem>>, vector<16xf32>,
    %swap3A_69 = arith.constant 208 : index
    %swap3A_70 = tpu.vector_load %arg7[%swap3A_69] {strides = array<i32>} : memref<256xf32, #tpu.memory_space<vmem>>, vector<16xf32>,
    tpu.vector_store %arg7[%swap3A_69], %broadcast_in_dim3A_17 {strides = array<i32>} : memref<256xf32, #tpu.memory_space<vmem>>, vector<16xf32>,
    %swap3A_71 = arith.constant 208 : index
    %swap3A_72 = tpu.vector_load %arg8[%swap3A_71] {strides = array<i32>} : memref<256xf32, #tpu.memory_space<vmem>>, vector<16xf32>,
    tpu.vector_store %arg8[%swap3A_71], %broadcast_in_dim3A_17 {strides = array<i32>} : memref<256xf32, #tpu.memory_space<vmem>>, vector<16xf32>,
    %swap3A_73 = arith.constant 224 : index
    %swap3A_74 = tpu.vector_load %arg7[%swap3A_73] {strides = array<i32>} : memref<256xf32, #tpu.memory_space<vmem>>, vector<16xf32>,
    tpu.vector_store %arg7[%swap3A_73], %broadcast_in_dim3A_17 {strides = array<i32>} : memref<256xf32, #tpu.memory_space<vmem>>, vector<16xf32>,
    %swap3A_75 = arith.constant 224 : index
    %swap3A_76 = tpu.vector_load %arg8[%swap3A_75] {strides = array<i32>} : memref<256xf32, #tpu.memory_space<vmem>>, vector<16xf32>,
    tpu.vector_store %arg8[%swap3A_75], %broadcast_in_dim3A_17 {strides = array<i32>} : memref<256xf32, #tpu.memory_space<vmem>>, vector<16xf32>,
    %swap3A_77 = arith.constant 240 : index
    %swap3A_78 = tpu.vector_load %arg7[%swap3A_77] {strides = array<i32>} : memref<256xf32, #tpu.memory_space<vmem>>, vector<16xf32>,
    tpu.vector_store %arg7[%swap3A_77], %broadcast_in_dim3A_17 {strides = array<i32>} : memref<256xf32, #tpu.memory_space<vmem>>, vector<16xf32>,
    %swap3A_79 = arith.constant 240 : index
    %swap3A_80 = tpu.vector_load %arg8[%swap3A_79] {strides = array<i32>} : memref<256xf32, #tpu.memory_space<vmem>>, vector<16xf32>,
    tpu.vector_store %arg8[%swap3A_79], %broadcast_in_dim3A_17 {strides = array<i32>} : memref<256xf32, #tpu.memory_space<vmem>>, vector<16xf32>,
    %scan3A = arith.constant 0 : i32
    %scan3A_81 = arith.constant 0 : i32
    %scan3A_82 = arith.constant 32 : i32
    %scan3A_83 = arith.addi %scan3A_81, %scan3A_82 : i32
    %scan3A_84 = arith.constant 1 : i32
    scf.for %scan3A_256 = %scan3A_81 to %scan3A_83 step %scan3A_84  : i32 {
      %get3A = arith.constant 0 : index
      %get3A_257 = tpu.vector_load %arg7[%get3A] {strides = array<i32>} : memref<256xf32, #tpu.memory_space<vmem>>, vector<16xf32>,
      %get3A_258 = arith.index_cast %scan3A_256 : i32 to index
      %get3A_259 = arith.constant 0 : index
      %get3A_260 = tpu.vector_load %arg5[%get3A_258, %get3A_259] {strides = array<i32>} : memref<32x256xf32, #tpu.memory_space<vmem>>, vector<16xf32>,
      %add3A_261 = arith.addf %get3A_257, %get3A_260 : vector<16xf32>
      %swap3A_262 = arith.constant 0 : index
      %swap3A_263 = tpu.vector_load %arg7[%swap3A_262] {strides = array<i32>} : memref<256xf32, #tpu.memory_space<vmem>>, vector<16xf32>,
      tpu.vector_store %arg7[%swap3A_262], %add3A_261 {strides = array<i32>} : memref<256xf32, #tpu.memory_space<vmem>>, vector<16xf32>,
      %get3A_264 = arith.constant 0 : index
      %get3A_265 = tpu.vector_load %arg8[%get3A_264] {strides = array<i32>} : memref<256xf32, #tpu.memory_space<vmem>>, vector<16xf32>,
      %get3A_266 = arith.index_cast %scan3A_256 : i32 to index
      %get3A_267 = arith.constant 0 : index
      %get3A_268 = tpu.vector_load %arg6[%get3A_266, %get3A_267] {strides = array<i32>} : memref<32x256xf32, #tpu.memory_space<vmem>>, vector<16xf32>,
      %add3A_269 = arith.addf %get3A_265, %get3A_268 : vector<16xf32>
      %swap3A_270 = arith.constant 0 : index
      %swap3A_271 = tpu.vector_load %arg8[%swap3A_270] {strides = array<i32>} : memref<256xf32, #tpu.memory_space<vmem>>, vector<16xf32>,
      tpu.vector_store %arg8[%swap3A_270], %add3A_269 {strides = array<i32>} : memref<256xf32, #tpu.memory_space<vmem>>, vector<16xf32>,
      %get3A_272 = arith.constant 16 : index
      %get3A_273 = tpu.vector_load %arg7[%get3A_272] {strides = array<i32>} : memref<256xf32, #tpu.memory_space<vmem>>, vector<16xf32>,
      %get3A_274 = arith.index_cast %scan3A_256 : i32 to index
      %get3A_275 = arith.constant 16 : index
      %get3A_276 = tpu.vector_load %arg5[%get3A_274, %get3A_275] {strides = array<i32>} : memref<32x256xf32, #tpu.memory_space<vmem>>, vector<16xf32>,
      %add3A_277 = arith.addf %get3A_273, %get3A_276 : vector<16xf32>
      %swap3A_278 = arith.constant 16 : index
      %swap3A_279 = tpu.vector_load %arg7[%swap3A_278] {strides = array<i32>} : memref<256xf32, #tpu.memory_space<vmem>>, vector<16xf32>,
      tpu.vector_store %arg7[%swap3A_278], %add3A_277 {strides = array<i32>} : memref<256xf32, #tpu.memory_space<vmem>>, vector<16xf32>,
      %get3A_280 = arith.constant 16 : index
      %get3A_281 = tpu.vector_load %arg8[%get3A_280] {strides = array<i32>} : memref<256xf32, #tpu.memory_space<vmem>>, vector<16xf32>,
      %get3A_282 = arith.index_cast %scan3A_256 : i32 to index
      %get3A_283 = arith.constant 16 : index
      %get3A_284 = tpu.vector_load %arg6[%get3A_282, %get3A_283] {strides = array<i32>} : memref<32x256xf32, #tpu.memory_space<vmem>>, vector<16xf32>,
      %add3A_285 = arith.addf %get3A_281, %get3A_284 : vector<16xf32>
      %swap3A_286 = arith.constant 16 : index
      %swap3A_287 = tpu.vector_load %arg8[%swap3A_286] {strides = array<i32>} : memref<256xf32, #tpu.memory_space<vmem>>, vector<16xf32>,
      tpu.vector_store %arg8[%swap3A_286], %add3A_285 {strides = array<i32>} : memref<256xf32, #tpu.memory_space<vmem>>, vector<16xf32>,
      %get3A_288 = arith.constant 32 : index
      %get3A_289 = tpu.vector_load %arg7[%get3A_288] {strides = array<i32>} : memref<256xf32, #tpu.memory_space<vmem>>, vector<16xf32>,
      %get3A_290 = arith.index_cast %scan3A_256 : i32 to index
      %get3A_291 = arith.constant 32 : index
      %get3A_292 = tpu.vector_load %arg5[%get3A_290, %get3A_291] {strides = array<i32>} : memref<32x256xf32, #tpu.memory_space<vmem>>, vector<16xf32>,
      %add3A_293 = arith.addf %get3A_289, %get3A_292 : vector<16xf32>
      %swap3A_294 = arith.constant 32 : index
      %swap3A_295 = tpu.vector_load %arg7[%swap3A_294] {strides = array<i32>} : memref<256xf32, #tpu.memory_space<vmem>>, vector<16xf32>,
      tpu.vector_store %arg7[%swap3A_294], %add3A_293 {strides = array<i32>} : memref<256xf32, #tpu.memory_space<vmem>>, vector<16xf32>,
      %get3A_296 = arith.constant 32 : index
      %get3A_297 = tpu.vector_load %arg8[%get3A_296] {strides = array<i32>} : memref<256xf32, #tpu.memory_space<vmem>>, vector<16xf32>,
      %get3A_298 = arith.index_cast %scan3A_256 : i32 to index
      %get3A_299 = arith.constant 32 : index
      %get3A_300 = tpu.vector_load %arg6[%get3A_298, %get3A_299] {strides = array<i32>} : memref<32x256xf32, #tpu.memory_space<vmem>>, vector<16xf32>,
      %add3A_301 = arith.addf %get3A_297, %get3A_300 : vector<16xf32>
      %swap3A_302 = arith.constant 32 : index
      %swap3A_303 = tpu.vector_load %arg8[%swap3A_302] {strides = array<i32>} : memref<256xf32, #tpu.memory_space<vmem>>, vector<16xf32>,
      tpu.vector_store %arg8[%swap3A_302], %add3A_301 {strides = array<i32>} : memref<256xf32, #tpu.memory_space<vmem>>, vector<16xf32>,
      %get3A_304 = arith.constant 48 : index
      %get3A_305 = tpu.vector_load %arg7[%get3A_304] {strides = array<i32>} : memref<256xf32, #tpu.memory_space<vmem>>, vector<16xf32>,
      %get3A_306 = arith.index_cast %scan3A_256 : i32 to index
      %get3A_307 = arith.constant 48 : index
      %get3A_308 = tpu.vector_load %arg5[%get3A_306, %get3A_307] {strides = array<i32>} : memref<32x256xf32, #tpu.memory_space<vmem>>, vector<16xf32>,
      %add3A_309 = arith.addf %get3A_305, %get3A_308 : vector<16xf32>
      %swap3A_310 = arith.constant 48 : index
      %swap3A_311 = tpu.vector_load %arg7[%swap3A_310] {strides = array<i32>} : memref<256xf32, #tpu.memory_space<vmem>>, vector<16xf32>,
      tpu.vector_store %arg7[%swap3A_310], %add3A_309 {strides = array<i32>} : memref<256xf32, #tpu.memory_space<vmem>>, vector<16xf32>,
      %get3A_312 = arith.constant 48 : index
      %get3A_313 = tpu.vector_load %arg8[%get3A_312] {strides = array<i32>} : memref<256xf32, #tpu.memory_space<vmem>>, vector<16xf32>,
      %get3A_314 = arith.index_cast %scan3A_256 : i32 to index
      %get3A_315 = arith.constant 48 : index
      %get3A_316 = tpu.vector_load %arg6[%get3A_314, %get3A_315] {strides = array<i32>} : memref<32x256xf32, #tpu.memory_space<vmem>>, vector<16xf32>,
      %add3A_317 = arith.addf %get3A_313, %get3A_316 : vector<16xf32>
      %swap3A_318 = arith.constant 48 : index
      %swap3A_319 = tpu.vector_load %arg8[%swap3A_318] {strides = array<i32>} : memref<256xf32, #tpu.memory_space<vmem>>, vector<16xf32>,
      tpu.vector_store %arg8[%swap3A_318], %add3A_317 {strides = array<i32>} : memref<256xf32, #tpu.memory_space<vmem>>, vector<16xf32>,
      %get3A_320 = arith.constant 64 : index
      %get3A_321 = tpu.vector_load %arg7[%get3A_320] {strides = array<i32>} : memref<256xf32, #tpu.memory_space<vmem>>, vector<16xf32>,
      %get3A_322 = arith.index_cast %scan3A_256 : i32 to index
      %get3A_323 = arith.constant 64 : index
      %get3A_324 = tpu.vector_load %arg5[%get3A_322, %get3A_323] {strides = array<i32>} : memref<32x256xf32, #tpu.memory_space<vmem>>, vector<16xf32>,
      %add3A_325 = arith.addf %get3A_321, %get3A_324 : vector<16xf32>
      %swap3A_326 = arith.constant 64 : index
      %swap3A_327 = tpu.vector_load %arg7[%swap3A_326] {strides = array<i32>} : memref<256xf32, #tpu.memory_space<vmem>>, vector<16xf32>,
      tpu.vector_store %arg7[%swap3A_326], %add3A_325 {strides = array<i32>} : memref<256xf32, #tpu.memory_space<vmem>>, vector<16xf32>,
      %get3A_328 = arith.constant 64 : index
      %get3A_329 = tpu.vector_load %arg8[%get3A_328] {strides = array<i32>} : memref<256xf32, #tpu.memory_space<vmem>>, vector<16xf32>,
      %get3A_330 = arith.index_cast %scan3A_256 : i32 to index
      %get3A_331 = arith.constant 64 : index
      %get3A_332 = tpu.vector_load %arg6[%get3A_330, %get3A_331] {strides = array<i32>} : memref<32x256xf32, #tpu.memory_space<vmem>>, vector<16xf32>,
      %add3A_333 = arith.addf %get3A_329, %get3A_332 : vector<16xf32>
      %swap3A_334 = arith.constant 64 : index
      %swap3A_335 = tpu.vector_load %arg8[%swap3A_334] {strides = array<i32>} : memref<256xf32, #tpu.memory_space<vmem>>, vector<16xf32>,
      tpu.vector_store %arg8[%swap3A_334], %add3A_333 {strides = array<i32>} : memref<256xf32, #tpu.memory_space<vmem>>, vector<16xf32>,
      %get3A_336 = arith.constant 80 : index
      %get3A_337 = tpu.vector_load %arg7[%get3A_336] {strides = array<i32>} : memref<256xf32, #tpu.memory_space<vmem>>, vector<16xf32>,
      %get3A_338 = arith.index_cast %scan3A_256 : i32 to index
      %get3A_339 = arith.constant 80 : index
      %get3A_340 = tpu.vector_load %arg5[%get3A_338, %get3A_339] {strides = array<i32>} : memref<32x256xf32, #tpu.memory_space<vmem>>, vector<16xf32>,
      %add3A_341 = arith.addf %get3A_337, %get3A_340 : vector<16xf32>
      %swap3A_342 = arith.constant 80 : index
      %swap3A_343 = tpu.vector_load %arg7[%swap3A_342] {strides = array<i32>} : memref<256xf32, #tpu.memory_space<vmem>>, vector<16xf32>,
      tpu.vector_store %arg7[%swap3A_342], %add3A_341 {strides = array<i32>} : memref<256xf32, #tpu.memory_space<vmem>>, vector<16xf32>,
      %get3A_344 = arith.constant 80 : index
      %get3A_345 = tpu.vector_load %arg8[%get3A_344] {strides = array<i32>} : memref<256xf32, #tpu.memory_space<vmem>>, vector<16xf32>,
      %get3A_346 = arith.index_cast %scan3A_256 : i32 to index
      %get3A_347 = arith.constant 80 : index
      %get3A_348 = tpu.vector_load %arg6[%get3A_346, %get3A_347] {strides = array<i32>} : memref<32x256xf32, #tpu.memory_space<vmem>>, vector<16xf32>,
      %add3A_349 = arith.addf %get3A_345, %get3A_348 : vector<16xf32>
      %swap3A_350 = arith.constant 80 : index
      %swap3A_351 = tpu.vector_load %arg8[%swap3A_350] {strides = array<i32>} : memref<256xf32, #tpu.memory_space<vmem>>, vector<16xf32>,
      tpu.vector_store %arg8[%swap3A_350], %add3A_349 {strides = array<i32>} : memref<256xf32, #tpu.memory_space<vmem>>, vector<16xf32>,
      %get3A_352 = arith.constant 96 : index
      %get3A_353 = tpu.vector_load %arg7[%get3A_352] {strides = array<i32>} : memref<256xf32, #tpu.memory_space<vmem>>, vector<16xf32>,
      %get3A_354 = arith.index_cast %scan3A_256 : i32 to index
      %get3A_355 = arith.constant 96 : index
      %get3A_356 = tpu.vector_load %arg5[%get3A_354, %get3A_355] {strides = array<i32>} : memref<32x256xf32, #tpu.memory_space<vmem>>, vector<16xf32>,
      %add3A_357 = arith.addf %get3A_353, %get3A_356 : vector<16xf32>
      %swap3A_358 = arith.constant 96 : index
      %swap3A_359 = tpu.vector_load %arg7[%swap3A_358] {strides = array<i32>} : memref<256xf32, #tpu.memory_space<vmem>>, vector<16xf32>,
      tpu.vector_store %arg7[%swap3A_358], %add3A_357 {strides = array<i32>} : memref<256xf32, #tpu.memory_space<vmem>>, vector<16xf32>,
      %get3A_360 = arith.constant 96 : index
      %get3A_361 = tpu.vector_load %arg8[%get3A_360] {strides = array<i32>} : memref<256xf32, #tpu.memory_space<vmem>>, vector<16xf32>,
      %get3A_362 = arith.index_cast %scan3A_256 : i32 to index
      %get3A_363 = arith.constant 96 : index
      %get3A_364 = tpu.vector_load %arg6[%get3A_362, %get3A_363] {strides = array<i32>} : memref<32x256xf32, #tpu.memory_space<vmem>>, vector<16xf32>,
      %add3A_365 = arith.addf %get3A_361, %get3A_364 : vector<16xf32>
      %swap3A_366 = arith.constant 96 : index
      %swap3A_367 = tpu.vector_load %arg8[%swap3A_366] {strides = array<i32>} : memref<256xf32, #tpu.memory_space<vmem>>, vector<16xf32>,
      tpu.vector_store %arg8[%swap3A_366], %add3A_365 {strides = array<i32>} : memref<256xf32, #tpu.memory_space<vmem>>, vector<16xf32>,
      %get3A_368 = arith.constant 112 : index
      %get3A_369 = tpu.vector_load %arg7[%get3A_368] {strides = array<i32>} : memref<256xf32, #tpu.memory_space<vmem>>, vector<16xf32>,
      %get3A_370 = arith.index_cast %scan3A_256 : i32 to index
      %get3A_371 = arith.constant 112 : index
      %get3A_372 = tpu.vector_load %arg5[%get3A_370, %get3A_371] {strides = array<i32>} : memref<32x256xf32, #tpu.memory_space<vmem>>, vector<16xf32>,
      %add3A_373 = arith.addf %get3A_369, %get3A_372 : vector<16xf32>
      %swap3A_374 = arith.constant 112 : index
      %swap3A_375 = tpu.vector_load %arg7[%swap3A_374] {strides = array<i32>} : memref<256xf32, #tpu.memory_space<vmem>>, vector<16xf32>,
      tpu.vector_store %arg7[%swap3A_374], %add3A_373 {strides = array<i32>} : memref<256xf32, #tpu.memory_space<vmem>>, vector<16xf32>,
      %get3A_376 = arith.constant 112 : index
      %get3A_377 = tpu.vector_load %arg8[%get3A_376] {strides = array<i32>} : memref<256xf32, #tpu.memory_space<vmem>>, vector<16xf32>,
      %get3A_378 = arith.index_cast %scan3A_256 : i32 to index
      %get3A_379 = arith.constant 112 : index
      %get3A_380 = tpu.vector_load %arg6[%get3A_378, %get3A_379] {strides = array<i32>} : memref<32x256xf32, #tpu.memory_space<vmem>>, vector<16xf32>,
      %add3A_381 = arith.addf %get3A_377, %get3A_380 : vector<16xf32>
      %swap3A_382 = arith.constant 112 : index
      %swap3A_383 = tpu.vector_load %arg8[%swap3A_382] {strides = array<i32>} : memref<256xf32, #tpu.memory_space<vmem>>, vector<16xf32>,
      tpu.vector_store %arg8[%swap3A_382], %add3A_381 {strides = array<i32>} : memref<256xf32, #tpu.memory_space<vmem>>, vector<16xf32>,
      %get3A_384 = arith.constant 128 : index
      %get3A_385 = tpu.vector_load %arg7[%get3A_384] {strides = array<i32>} : memref<256xf32, #tpu.memory_space<vmem>>, vector<16xf32>,
      %get3A_386 = arith.index_cast %scan3A_256 : i32 to index
      %get3A_387 = arith.constant 128 : index
      %get3A_388 = tpu.vector_load %arg5[%get3A_386, %get3A_387] {strides = array<i32>} : memref<32x256xf32, #tpu.memory_space<vmem>>, vector<16xf32>,
      %add3A_389 = arith.addf %get3A_385, %get3A_388 : vector<16xf32>
      %swap3A_390 = arith.constant 128 : index
      %swap3A_391 = tpu.vector_load %arg7[%swap3A_390] {strides = array<i32>} : memref<256xf32, #tpu.memory_space<vmem>>, vector<16xf32>,
      tpu.vector_store %arg7[%swap3A_390], %add3A_389 {strides = array<i32>} : memref<256xf32, #tpu.memory_space<vmem>>, vector<16xf32>,
      %get3A_392 = arith.constant 128 : index
      %get3A_393 = tpu.vector_load %arg8[%get3A_392] {strides = array<i32>} : memref<256xf32, #tpu.memory_space<vmem>>, vector<16xf32>,
      %get3A_394 = arith.index_cast %scan3A_256 : i32 to index
      %get3A_395 = arith.constant 128 : index
      %get3A_396 = tpu.vector_load %arg6[%get3A_394, %get3A_395] {strides = array<i32>} : memref<32x256xf32, #tpu.memory_space<vmem>>, vector<16xf32>,
      %add3A_397 = arith.addf %get3A_393, %get3A_396 : vector<16xf32>
      %swap3A_398 = arith.constant 128 : index
      %swap3A_399 = tpu.vector_load %arg8[%swap3A_398] {strides = array<i32>} : memref<256xf32, #tpu.memory_space<vmem>>, vector<16xf32>,
      tpu.vector_store %arg8[%swap3A_398], %add3A_397 {strides = array<i32>} : memref<256xf32, #tpu.memory_space<vmem>>, vector<16xf32>,
      %get3A_400 = arith.constant 144 : index
      %get3A_401 = tpu.vector_load %arg7[%get3A_400] {strides = array<i32>} : memref<256xf32, #tpu.memory_space<vmem>>, vector<16xf32>,
      %get3A_402 = arith.index_cast %scan3A_256 : i32 to index
      %get3A_403 = arith.constant 144 : index
      %get3A_404 = tpu.vector_load %arg5[%get3A_402, %get3A_403] {strides = array<i32>} : memref<32x256xf32, #tpu.memory_space<vmem>>, vector<16xf32>,
      %add3A_405 = arith.addf %get3A_401, %get3A_404 : vector<16xf32>
      %swap3A_406 = arith.constant 144 : index
      %swap3A_407 = tpu.vector_load %arg7[%swap3A_406] {strides = array<i32>} : memref<256xf32, #tpu.memory_space<vmem>>, vector<16xf32>,
      tpu.vector_store %arg7[%swap3A_406], %add3A_405 {strides = array<i32>} : memref<256xf32, #tpu.memory_space<vmem>>, vector<16xf32>,
      %get3A_408 = arith.constant 144 : index
      %get3A_409 = tpu.vector_load %arg8[%get3A_408] {strides = array<i32>} : memref<256xf32, #tpu.memory_space<vmem>>, vector<16xf32>,
      %get3A_410 = arith.index_cast %scan3A_256 : i32 to index
      %get3A_411 = arith.constant 144 : index
      %get3A_412 = tpu.vector_load %arg6[%get3A_410, %get3A_411] {strides = array<i32>} : memref<32x256xf32, #tpu.memory_space<vmem>>, vector<16xf32>,
      %add3A_413 = arith.addf %get3A_409, %get3A_412 : vector<16xf32>
      %swap3A_414 = arith.constant 144 : index
      %swap3A_415 = tpu.vector_load %arg8[%swap3A_414] {strides = array<i32>} : memref<256xf32, #tpu.memory_space<vmem>>, vector<16xf32>,
      tpu.vector_store %arg8[%swap3A_414], %add3A_413 {strides = array<i32>} : memref<256xf32, #tpu.memory_space<vmem>>, vector<16xf32>,
      %get3A_416 = arith.constant 160 : index
      %get3A_417 = tpu.vector_load %arg7[%get3A_416] {strides = array<i32>} : memref<256xf32, #tpu.memory_space<vmem>>, vector<16xf32>,
      %get3A_418 = arith.index_cast %scan3A_256 : i32 to index
      %get3A_419 = arith.constant 160 : index
      %get3A_420 = tpu.vector_load %arg5[%get3A_418, %get3A_419] {strides = array<i32>} : memref<32x256xf32, #tpu.memory_space<vmem>>, vector<16xf32>,
      %add3A_421 = arith.addf %get3A_417, %get3A_420 : vector<16xf32>
      %swap3A_422 = arith.constant 160 : index
      %swap3A_423 = tpu.vector_load %arg7[%swap3A_422] {strides = array<i32>} : memref<256xf32, #tpu.memory_space<vmem>>, vector<16xf32>,
      tpu.vector_store %arg7[%swap3A_422], %add3A_421 {strides = array<i32>} : memref<256xf32, #tpu.memory_space<vmem>>, vector<16xf32>,
      %get3A_424 = arith.constant 160 : index
      %get3A_425 = tpu.vector_load %arg8[%get3A_424] {strides = array<i32>} : memref<256xf32, #tpu.memory_space<vmem>>, vector<16xf32>,
      %get3A_426 = arith.index_cast %scan3A_256 : i32 to index
      %get3A_427 = arith.constant 160 : index
      %get3A_428 = tpu.vector_load %arg6[%get3A_426, %get3A_427] {strides = array<i32>} : memref<32x256xf32, #tpu.memory_space<vmem>>, vector<16xf32>,
      %add3A_429 = arith.addf %get3A_425, %get3A_428 : vector<16xf32>
      %swap3A_430 = arith.constant 160 : index
      %swap3A_431 = tpu.vector_load %arg8[%swap3A_430] {strides = array<i32>} : memref<256xf32, #tpu.memory_space<vmem>>, vector<16xf32>,
      tpu.vector_store %arg8[%swap3A_430], %add3A_429 {strides = array<i32>} : memref<256xf32, #tpu.memory_space<vmem>>, vector<16xf32>,
      %get3A_432 = arith.constant 176 : index
      %get3A_433 = tpu.vector_load %arg7[%get3A_432] {strides = array<i32>} : memref<256xf32, #tpu.memory_space<vmem>>, vector<16xf32>,
      %get3A_434 = arith.index_cast %scan3A_256 : i32 to index
      %get3A_435 = arith.constant 176 : index
      %get3A_436 = tpu.vector_load %arg5[%get3A_434, %get3A_435] {strides = array<i32>} : memref<32x256xf32, #tpu.memory_space<vmem>>, vector<16xf32>,
      %add3A_437 = arith.addf %get3A_433, %get3A_436 : vector<16xf32>
      %swap3A_438 = arith.constant 176 : index
      %swap3A_439 = tpu.vector_load %arg7[%swap3A_438] {strides = array<i32>} : memref<256xf32, #tpu.memory_space<vmem>>, vector<16xf32>,
      tpu.vector_store %arg7[%swap3A_438], %add3A_437 {strides = array<i32>} : memref<256xf32, #tpu.memory_space<vmem>>, vector<16xf32>,
      %get3A_440 = arith.constant 176 : index
      %get3A_441 = tpu.vector_load %arg8[%get3A_440] {strides = array<i32>} : memref<256xf32, #tpu.memory_space<vmem>>, vector<16xf32>,
      %get3A_442 = arith.index_cast %scan3A_256 : i32 to index
      %get3A_443 = arith.constant 176 : index
      %get3A_444 = tpu.vector_load %arg6[%get3A_442, %get3A_443] {strides = array<i32>} : memref<32x256xf32, #tpu.memory_space<vmem>>, vector<16xf32>,
      %add3A_445 = arith.addf %get3A_441, %get3A_444 : vector<16xf32>
      %swap3A_446 = arith.constant 176 : index
      %swap3A_447 = tpu.vector_load %arg8[%swap3A_446] {strides = array<i32>} : memref<256xf32, #tpu.memory_space<vmem>>, vector<16xf32>,
      tpu.vector_store %arg8[%swap3A_446], %add3A_445 {strides = array<i32>} : memref<256xf32, #tpu.memory_space<vmem>>, vector<16xf32>,
      %get3A_448 = arith.constant 192 : index
      %get3A_449 = tpu.vector_load %arg7[%get3A_448] {strides = array<i32>} : memref<256xf32, #tpu.memory_space<vmem>>, vector<16xf32>,
      %get3A_450 = arith.index_cast %scan3A_256 : i32 to index
      %get3A_451 = arith.constant 192 : index
      %get3A_452 = tpu.vector_load %arg5[%get3A_450, %get3A_451] {strides = array<i32>} : memref<32x256xf32, #tpu.memory_space<vmem>>, vector<16xf32>,
      %add3A_453 = arith.addf %get3A_449, %get3A_452 : vector<16xf32>
      %swap3A_454 = arith.constant 192 : index
      %swap3A_455 = tpu.vector_load %arg7[%swap3A_454] {strides = array<i32>} : memref<256xf32, #tpu.memory_space<vmem>>, vector<16xf32>,
      tpu.vector_store %arg7[%swap3A_454], %add3A_453 {strides = array<i32>} : memref<256xf32, #tpu.memory_space<vmem>>, vector<16xf32>,
      %get3A_456 = arith.constant 192 : index
      %get3A_457 = tpu.vector_load %arg8[%get3A_456] {strides = array<i32>} : memref<256xf32, #tpu.memory_space<vmem>>, vector<16xf32>,
      %get3A_458 = arith.index_cast %scan3A_256 : i32 to index
      %get3A_459 = arith.constant 192 : index
      %get3A_460 = tpu.vector_load %arg6[%get3A_458, %get3A_459] {strides = array<i32>} : memref<32x256xf32, #tpu.memory_space<vmem>>, vector<16xf32>,
      %add3A_461 = arith.addf %get3A_457, %get3A_460 : vector<16xf32>
      %swap3A_462 = arith.constant 192 : index
      %swap3A_463 = tpu.vector_load %arg8[%swap3A_462] {strides = array<i32>} : memref<256xf32, #tpu.memory_space<vmem>>, vector<16xf32>,
      tpu.vector_store %arg8[%swap3A_462], %add3A_461 {strides = array<i32>} : memref<256xf32, #tpu.memory_space<vmem>>, vector<16xf32>,
      %get3A_464 = arith.constant 208 : index
      %get3A_465 = tpu.vector_load %arg7[%get3A_464] {strides = array<i32>} : memref<256xf32, #tpu.memory_space<vmem>>, vector<16xf32>,
      %get3A_466 = arith.index_cast %scan3A_256 : i32 to index
      %get3A_467 = arith.constant 208 : index
      %get3A_468 = tpu.vector_load %arg5[%get3A_466, %get3A_467] {strides = array<i32>} : memref<32x256xf32, #tpu.memory_space<vmem>>, vector<16xf32>,
      %add3A_469 = arith.addf %get3A_465, %get3A_468 : vector<16xf32>
      %swap3A_470 = arith.constant 208 : index
      %swap3A_471 = tpu.vector_load %arg7[%swap3A_470] {strides = array<i32>} : memref<256xf32, #tpu.memory_space<vmem>>, vector<16xf32>,
      tpu.vector_store %arg7[%swap3A_470], %add3A_469 {strides = array<i32>} : memref<256xf32, #tpu.memory_space<vmem>>, vector<16xf32>,
      %get3A_472 = arith.constant 208 : index
      %get3A_473 = tpu.vector_load %arg8[%get3A_472] {strides = array<i32>} : memref<256xf32, #tpu.memory_space<vmem>>, vector<16xf32>,
      %get3A_474 = arith.index_cast %scan3A_256 : i32 to index
      %get3A_475 = arith.constant 208 : index
      %get3A_476 = tpu.vector_load %arg6[%get3A_474, %get3A_475] {strides = array<i32>} : memref<32x256xf32, #tpu.memory_space<vmem>>, vector<16xf32>,
      %add3A_477 = arith.addf %get3A_473, %get3A_476 : vector<16xf32>
      %swap3A_478 = arith.constant 208 : index
      %swap3A_479 = tpu.vector_load %arg8[%swap3A_478] {strides = array<i32>} : memref<256xf32, #tpu.memory_space<vmem>>, vector<16xf32>,
      tpu.vector_store %arg8[%swap3A_478], %add3A_477 {strides = array<i32>} : memref<256xf32, #tpu.memory_space<vmem>>, vector<16xf32>,
      %get3A_480 = arith.constant 224 : index
      %get3A_481 = tpu.vector_load %arg7[%get3A_480] {strides = array<i32>} : memref<256xf32, #tpu.memory_space<vmem>>, vector<16xf32>,
      %get3A_482 = arith.index_cast %scan3A_256 : i32 to index
      %get3A_483 = arith.constant 224 : index
      %get3A_484 = tpu.vector_load %arg5[%get3A_482, %get3A_483] {strides = array<i32>} : memref<32x256xf32, #tpu.memory_space<vmem>>, vector<16xf32>,
      %add3A_485 = arith.addf %get3A_481, %get3A_484 : vector<16xf32>
      %swap3A_486 = arith.constant 224 : index
      %swap3A_487 = tpu.vector_load %arg7[%swap3A_486] {strides = array<i32>} : memref<256xf32, #tpu.memory_space<vmem>>, vector<16xf32>,
      tpu.vector_store %arg7[%swap3A_486], %add3A_485 {strides = array<i32>} : memref<256xf32, #tpu.memory_space<vmem>>, vector<16xf32>,
      %get3A_488 = arith.constant 224 : index
      %get3A_489 = tpu.vector_load %arg8[%get3A_488] {strides = array<i32>} : memref<256xf32, #tpu.memory_space<vmem>>, vector<16xf32>,
      %get3A_490 = arith.index_cast %scan3A_256 : i32 to index
      %get3A_491 = arith.constant 224 : index
      %get3A_492 = tpu.vector_load %arg6[%get3A_490, %get3A_491] {strides = array<i32>} : memref<32x256xf32, #tpu.memory_space<vmem>>, vector<16xf32>,
      %add3A_493 = arith.addf %get3A_489, %get3A_492 : vector<16xf32>
      %swap3A_494 = arith.constant 224 : index
      %swap3A_495 = tpu.vector_load %arg8[%swap3A_494] {strides = array<i32>} : memref<256xf32, #tpu.memory_space<vmem>>, vector<16xf32>,
      tpu.vector_store %arg8[%swap3A_494], %add3A_493 {strides = array<i32>} : memref<256xf32, #tpu.memory_space<vmem>>, vector<16xf32>,
      %get3A_496 = arith.constant 240 : index
      %get3A_497 = tpu.vector_load %arg7[%get3A_496] {strides = array<i32>} : memref<256xf32, #tpu.memory_space<vmem>>, vector<16xf32>,
      %get3A_498 = arith.index_cast %scan3A_256 : i32 to index
      %get3A_499 = arith.constant 240 : index
      %get3A_500 = tpu.vector_load %arg5[%get3A_498, %get3A_499] {strides = array<i32>} : memref<32x256xf32, #tpu.memory_space<vmem>>, vector<16xf32>,
      %add3A_501 = arith.addf %get3A_497, %get3A_500 : vector<16xf32>
      %swap3A_502 = arith.constant 240 : index
      %swap3A_503 = tpu.vector_load %arg7[%swap3A_502] {strides = array<i32>} : memref<256xf32, #tpu.memory_space<vmem>>, vector<16xf32>,
      tpu.vector_store %arg7[%swap3A_502], %add3A_501 {strides = array<i32>} : memref<256xf32, #tpu.memory_space<vmem>>, vector<16xf32>,
      %get3A_504 = arith.constant 240 : index
      %get3A_505 = tpu.vector_load %arg8[%get3A_504] {strides = array<i32>} : memref<256xf32, #tpu.memory_space<vmem>>, vector<16xf32>,
      %get3A_506 = arith.index_cast %scan3A_256 : i32 to index
      %get3A_507 = arith.constant 240 : index
      %get3A_508 = tpu.vector_load %arg6[%get3A_506, %get3A_507] {strides = array<i32>} : memref<32x256xf32, #tpu.memory_space<vmem>>, vector<16xf32>,
      %add3A_509 = arith.addf %get3A_505, %get3A_508 : vector<16xf32>
      %swap3A_510 = arith.constant 240 : index
      %swap3A_511 = tpu.vector_load %arg8[%swap3A_510] {strides = array<i32>} : memref<256xf32, #tpu.memory_space<vmem>>, vector<16xf32>,
      tpu.vector_store %arg8[%swap3A_510], %add3A_509 {strides = array<i32>} : memref<256xf32, #tpu.memory_space<vmem>>, vector<16xf32>,
    }
    %scan3A_85 = arith.constant 32 : i32
    %iota3A = tpu.iota {dimensions = array<i32: 0>} : vector<16xi32>
    %mul3A_86 = arith.constant 16 : i32
    %mul3A_87 = vector.broadcast %mul3A_86 : i32 to vector<16xi32>
    %mul3A_88 = arith.muli %iota3A, %mul3A_87 : vector<16xi32>
    %broadcast_in_dim3A_89 = arith.constant 0.000000e+00 : f32
    %broadcast_in_dim3A_90 = vector.broadcast %broadcast_in_dim3A_89 : f32 to vector<16xf32>
    %broadcast_in_dim3A_91 = arith.constant 0.000000e+00 : f32
    %broadcast_in_dim3A_92 = vector.broadcast %broadcast_in_dim3A_91 : f32 to vector<16xf32>
    %add3A_93 = arith.constant 0 : i32
    %add3A_94 = vector.broadcast %add3A_93 : i32 to vector<16xi32>
    %add3A_95 = arith.addi %mul3A_88, %add3A_94 : vector<16xi32>
    %gather3A = tpu.vector_load_idx %arg7[%add3A_95] : memref<256xf32, #tpu.memory_space<vmem>>[vector<16xi32>], vector<16xf32>,
    %add3A_96 = arith.addf %broadcast_in_dim3A_90, %gather3A : vector<16xf32>
    %add3A_97 = arith.constant 0 : i32
    %add3A_98 = vector.broadcast %add3A_97 : i32 to vector<16xi32>
    %add3A_99 = arith.addi %mul3A_88, %add3A_98 : vector<16xi32>
    %gather3A_100 = tpu.vector_load_idx %arg8[%add3A_99] : memref<256xf32, #tpu.memory_space<vmem>>[vector<16xi32>], vector<16xf32>,
    %add3A_101 = arith.addf %broadcast_in_dim3A_92, %gather3A_100 : vector<16xf32>
    %add3A_102 = arith.constant 1 : i32
    %add3A_103 = vector.broadcast %add3A_102 : i32 to vector<16xi32>
    %add3A_104 = arith.addi %mul3A_88, %add3A_103 : vector<16xi32>
    %gather3A_105 = tpu.vector_load_idx %arg7[%add3A_104] : memref<256xf32, #tpu.memory_space<vmem>>[vector<16xi32>], vector<16xf32>,
    %add3A_106 = arith.addf %add3A_96, %gather3A_105 : vector<16xf32>
    %add3A_107 = arith.constant 1 : i32
    %add3A_108 = vector.broadcast %add3A_107 : i32 to vector<16xi32>
    %add3A_109 = arith.addi %mul3A_88, %add3A_108 : vector<16xi32>
    %gather3A_110 = tpu.vector_load_idx %arg8[%add3A_109] : memref<256xf32, #tpu.memory_space<vmem>>[vector<16xi32>], vector<16xf32>,
    %add3A_111 = arith.addf %add3A_101, %gather3A_110 : vector<16xf32>
    %add3A_112 = arith.constant 2 : i32
    %add3A_113 = vector.broadcast %add3A_112 : i32 to vector<16xi32>
    %add3A_114 = arith.addi %mul3A_88, %add3A_113 : vector<16xi32>
    %gather3A_115 = tpu.vector_load_idx %arg7[%add3A_114] : memref<256xf32, #tpu.memory_space<vmem>>[vector<16xi32>], vector<16xf32>,
    %add3A_116 = arith.addf %add3A_106, %gather3A_115 : vector<16xf32>
    %add3A_117 = arith.constant 2 : i32
    %add3A_118 = vector.broadcast %add3A_117 : i32 to vector<16xi32>
    %add3A_119 = arith.addi %mul3A_88, %add3A_118 : vector<16xi32>
    %gather3A_120 = tpu.vector_load_idx %arg8[%add3A_119] : memref<256xf32, #tpu.memory_space<vmem>>[vector<16xi32>], vector<16xf32>,
    %add3A_121 = arith.addf %add3A_111, %gather3A_120 : vector<16xf32>
    %add3A_122 = arith.constant 3 : i32
    %add3A_123 = vector.broadcast %add3A_122 : i32 to vector<16xi32>
    %add3A_124 = arith.addi %mul3A_88, %add3A_123 : vector<16xi32>
    %gather3A_125 = tpu.vector_load_idx %arg7[%add3A_124] : memref<256xf32, #tpu.memory_space<vmem>>[vector<16xi32>], vector<16xf32>,
    %add3A_126 = arith.addf %add3A_116, %gather3A_125 : vector<16xf32>
    %add3A_127 = arith.constant 3 : i32
    %add3A_128 = vector.broadcast %add3A_127 : i32 to vector<16xi32>
    %add3A_129 = arith.addi %mul3A_88, %add3A_128 : vector<16xi32>
    %gather3A_130 = tpu.vector_load_idx %arg8[%add3A_129] : memref<256xf32, #tpu.memory_space<vmem>>[vector<16xi32>], vector<16xf32>,
    %add3A_131 = arith.addf %add3A_121, %gather3A_130 : vector<16xf32>
    %add3A_132 = arith.constant 4 : i32
    %add3A_133 = vector.broadcast %add3A_132 : i32 to vector<16xi32>
    %add3A_134 = arith.addi %mul3A_88, %add3A_133 : vector<16xi32>
    %gather3A_135 = tpu.vector_load_idx %arg7[%add3A_134] : memref<256xf32, #tpu.memory_space<vmem>>[vector<16xi32>], vector<16xf32>,
    %add3A_136 = arith.addf %add3A_126, %gather3A_135 : vector<16xf32>
    %add3A_137 = arith.constant 4 : i32
    %add3A_138 = vector.broadcast %add3A_137 : i32 to vector<16xi32>
    %add3A_139 = arith.addi %mul3A_88, %add3A_138 : vector<16xi32>
    %gather3A_140 = tpu.vector_load_idx %arg8[%add3A_139] : memref<256xf32, #tpu.memory_space<vmem>>[vector<16xi32>], vector<16xf32>,
    %add3A_141 = arith.addf %add3A_131, %gather3A_140 : vector<16xf32>
    %add3A_142 = arith.constant 5 : i32
    %add3A_143 = vector.broadcast %add3A_142 : i32 to vector<16xi32>
    %add3A_144 = arith.addi %mul3A_88, %add3A_143 : vector<16xi32>
    %gather3A_145 = tpu.vector_load_idx %arg7[%add3A_144] : memref<256xf32, #tpu.memory_space<vmem>>[vector<16xi32>], vector<16xf32>,
    %add3A_146 = arith.addf %add3A_136, %gather3A_145 : vector<16xf32>
    %add3A_147 = arith.constant 5 : i32
    %add3A_148 = vector.broadcast %add3A_147 : i32 to vector<16xi32>
    %add3A_149 = arith.addi %mul3A_88, %add3A_148 : vector<16xi32>
    %gather3A_150 = tpu.vector_load_idx %arg8[%add3A_149] : memref<256xf32, #tpu.memory_space<vmem>>[vector<16xi32>], vector<16xf32>,
    %add3A_151 = arith.addf %add3A_141, %gather3A_150 : vector<16xf32>
    %add3A_152 = arith.constant 6 : i32
    %add3A_153 = vector.broadcast %add3A_152 : i32 to vector<16xi32>
    %add3A_154 = arith.addi %mul3A_88, %add3A_153 : vector<16xi32>
    %gather3A_155 = tpu.vector_load_idx %arg7[%add3A_154] : memref<256xf32, #tpu.memory_space<vmem>>[vector<16xi32>], vector<16xf32>,
    %add3A_156 = arith.addf %add3A_146, %gather3A_155 : vector<16xf32>
    %add3A_157 = arith.constant 6 : i32
    %add3A_158 = vector.broadcast %add3A_157 : i32 to vector<16xi32>
    %add3A_159 = arith.addi %mul3A_88, %add3A_158 : vector<16xi32>
    %gather3A_160 = tpu.vector_load_idx %arg8[%add3A_159] : memref<256xf32, #tpu.memory_space<vmem>>[vector<16xi32>], vector<16xf32>,
    %add3A_161 = arith.addf %add3A_151, %gather3A_160 : vector<16xf32>
    %add3A_162 = arith.constant 7 : i32
    %add3A_163 = vector.broadcast %add3A_162 : i32 to vector<16xi32>
    %add3A_164 = arith.addi %mul3A_88, %add3A_163 : vector<16xi32>
    %gather3A_165 = tpu.vector_load_idx %arg7[%add3A_164] : memref<256xf32, #tpu.memory_space<vmem>>[vector<16xi32>], vector<16xf32>,
    %add3A_166 = arith.addf %add3A_156, %gather3A_165 : vector<16xf32>
    %add3A_167 = arith.constant 7 : i32
    %add3A_168 = vector.broadcast %add3A_167 : i32 to vector<16xi32>
    %add3A_169 = arith.addi %mul3A_88, %add3A_168 : vector<16xi32>
    %gather3A_170 = tpu.vector_load_idx %arg8[%add3A_169] : memref<256xf32, #tpu.memory_space<vmem>>[vector<16xi32>], vector<16xf32>,
    %add3A_171 = arith.addf %add3A_161, %gather3A_170 : vector<16xf32>
    %add3A_172 = arith.constant 8 : i32
    %add3A_173 = vector.broadcast %add3A_172 : i32 to vector<16xi32>
    %add3A_174 = arith.addi %mul3A_88, %add3A_173 : vector<16xi32>
    %gather3A_175 = tpu.vector_load_idx %arg7[%add3A_174] : memref<256xf32, #tpu.memory_space<vmem>>[vector<16xi32>], vector<16xf32>,
    %add3A_176 = arith.addf %add3A_166, %gather3A_175 : vector<16xf32>
    %add3A_177 = arith.constant 8 : i32
    %add3A_178 = vector.broadcast %add3A_177 : i32 to vector<16xi32>
    %add3A_179 = arith.addi %mul3A_88, %add3A_178 : vector<16xi32>
    %gather3A_180 = tpu.vector_load_idx %arg8[%add3A_179] : memref<256xf32, #tpu.memory_space<vmem>>[vector<16xi32>], vector<16xf32>,
    %add3A_181 = arith.addf %add3A_171, %gather3A_180 : vector<16xf32>
    %add3A_182 = arith.constant 9 : i32
    %add3A_183 = vector.broadcast %add3A_182 : i32 to vector<16xi32>
    %add3A_184 = arith.addi %mul3A_88, %add3A_183 : vector<16xi32>
    %gather3A_185 = tpu.vector_load_idx %arg7[%add3A_184] : memref<256xf32, #tpu.memory_space<vmem>>[vector<16xi32>], vector<16xf32>,
    %add3A_186 = arith.addf %add3A_176, %gather3A_185 : vector<16xf32>
    %add3A_187 = arith.constant 9 : i32
    %add3A_188 = vector.broadcast %add3A_187 : i32 to vector<16xi32>
    %add3A_189 = arith.addi %mul3A_88, %add3A_188 : vector<16xi32>
    %gather3A_190 = tpu.vector_load_idx %arg8[%add3A_189] : memref<256xf32, #tpu.memory_space<vmem>>[vector<16xi32>], vector<16xf32>,
    %add3A_191 = arith.addf %add3A_181, %gather3A_190 : vector<16xf32>
    %add3A_192 = arith.constant 10 : i32
    %add3A_193 = vector.broadcast %add3A_192 : i32 to vector<16xi32>
    %add3A_194 = arith.addi %mul3A_88, %add3A_193 : vector<16xi32>
    %gather3A_195 = tpu.vector_load_idx %arg7[%add3A_194] : memref<256xf32, #tpu.memory_space<vmem>>[vector<16xi32>], vector<16xf32>,
    %add3A_196 = arith.addf %add3A_186, %gather3A_195 : vector<16xf32>
    %add3A_197 = arith.constant 10 : i32
    %add3A_198 = vector.broadcast %add3A_197 : i32 to vector<16xi32>
    %add3A_199 = arith.addi %mul3A_88, %add3A_198 : vector<16xi32>
    %gather3A_200 = tpu.vector_load_idx %arg8[%add3A_199] : memref<256xf32, #tpu.memory_space<vmem>>[vector<16xi32>], vector<16xf32>,
    %add3A_201 = arith.addf %add3A_191, %gather3A_200 : vector<16xf32>
    %add3A_202 = arith.constant 11 : i32
    %add3A_203 = vector.broadcast %add3A_202 : i32 to vector<16xi32>
    %add3A_204 = arith.addi %mul3A_88, %add3A_203 : vector<16xi32>
    %gather3A_205 = tpu.vector_load_idx %arg7[%add3A_204] : memref<256xf32, #tpu.memory_space<vmem>>[vector<16xi32>], vector<16xf32>,
    %add3A_206 = arith.addf %add3A_196, %gather3A_205 : vector<16xf32>
    %add3A_207 = arith.constant 11 : i32
    %add3A_208 = vector.broadcast %add3A_207 : i32 to vector<16xi32>
    %add3A_209 = arith.addi %mul3A_88, %add3A_208 : vector<16xi32>
    %gather3A_210 = tpu.vector_load_idx %arg8[%add3A_209] : memref<256xf32, #tpu.memory_space<vmem>>[vector<16xi32>], vector<16xf32>,
    %add3A_211 = arith.addf %add3A_201, %gather3A_210 : vector<16xf32>
    %add3A_212 = arith.constant 12 : i32
    %add3A_213 = vector.broadcast %add3A_212 : i32 to vector<16xi32>
    %add3A_214 = arith.addi %mul3A_88, %add3A_213 : vector<16xi32>
    %gather3A_215 = tpu.vector_load_idx %arg7[%add3A_214] : memref<256xf32, #tpu.memory_space<vmem>>[vector<16xi32>], vector<16xf32>,
    %add3A_216 = arith.addf %add3A_206, %gather3A_215 : vector<16xf32>
    %add3A_217 = arith.constant 12 : i32
    %add3A_218 = vector.broadcast %add3A_217 : i32 to vector<16xi32>
    %add3A_219 = arith.addi %mul3A_88, %add3A_218 : vector<16xi32>
    %gather3A_220 = tpu.vector_load_idx %arg8[%add3A_219] : memref<256xf32, #tpu.memory_space<vmem>>[vector<16xi32>], vector<16xf32>,
    %add3A_221 = arith.addf %add3A_211, %gather3A_220 : vector<16xf32>
    %add3A_222 = arith.constant 13 : i32
    %add3A_223 = vector.broadcast %add3A_222 : i32 to vector<16xi32>
    %add3A_224 = arith.addi %mul3A_88, %add3A_223 : vector<16xi32>
    %gather3A_225 = tpu.vector_load_idx %arg7[%add3A_224] : memref<256xf32, #tpu.memory_space<vmem>>[vector<16xi32>], vector<16xf32>,
    %add3A_226 = arith.addf %add3A_216, %gather3A_225 : vector<16xf32>
    %add3A_227 = arith.constant 13 : i32
    %add3A_228 = vector.broadcast %add3A_227 : i32 to vector<16xi32>
    %add3A_229 = arith.addi %mul3A_88, %add3A_228 : vector<16xi32>
    %gather3A_230 = tpu.vector_load_idx %arg8[%add3A_229] : memref<256xf32, #tpu.memory_space<vmem>>[vector<16xi32>], vector<16xf32>,
    %add3A_231 = arith.addf %add3A_221, %gather3A_230 : vector<16xf32>
    %add3A_232 = arith.constant 14 : i32
    %add3A_233 = vector.broadcast %add3A_232 : i32 to vector<16xi32>
    %add3A_234 = arith.addi %mul3A_88, %add3A_233 : vector<16xi32>
    %gather3A_235 = tpu.vector_load_idx %arg7[%add3A_234] : memref<256xf32, #tpu.memory_space<vmem>>[vector<16xi32>], vector<16xf32>,
    %add3A_236 = arith.addf %add3A_226, %gather3A_235 : vector<16xf32>
    %add3A_237 = arith.constant 14 : i32
    %add3A_238 = vector.broadcast %add3A_237 : i32 to vector<16xi32>
    %add3A_239 = arith.addi %mul3A_88, %add3A_238 : vector<16xi32>
    %gather3A_240 = tpu.vector_load_idx %arg8[%add3A_239] : memref<256xf32, #tpu.memory_space<vmem>>[vector<16xi32>], vector<16xf32>,
    %add3A_241 = arith.addf %add3A_231, %gather3A_240 : vector<16xf32>
    %add3A_242 = arith.constant 15 : i32
    %add3A_243 = vector.broadcast %add3A_242 : i32 to vector<16xi32>
    %add3A_244 = arith.addi %mul3A_88, %add3A_243 : vector<16xi32>
    %gather3A_245 = tpu.vector_load_idx %arg7[%add3A_244] : memref<256xf32, #tpu.memory_space<vmem>>[vector<16xi32>], vector<16xf32>,
    %add3A_246 = arith.addf %add3A_236, %gather3A_245 : vector<16xf32>
    %add3A_247 = arith.constant 15 : i32
    %add3A_248 = vector.broadcast %add3A_247 : i32 to vector<16xi32>
    %add3A_249 = arith.addi %mul3A_88, %add3A_248 : vector<16xi32>
    %gather3A_250 = tpu.vector_load_idx %arg8[%add3A_249] : memref<256xf32, #tpu.memory_space<vmem>>[vector<16xi32>], vector<16xf32>,
    %add3A_251 = arith.addf %add3A_241, %gather3A_250 : vector<16xf32>
    %div3A = arith.divf %add3A_246, %add3A_251 : vector<16xf32>
    %swap3A_252 = arith.constant 0 : index
    %swap3A_253 = tpu.vector_load %arg9[%swap3A_252] {strides = array<i32>} : memref<16xf32, #tpu.memory_space<vmem>>, vector<16xf32>,
    tpu.vector_store %arg9[%swap3A_252], %div3A {strides = array<i32>} : memref<16xf32, #tpu.memory_space<vmem>>, vector<16xf32>,
    %mul3A_254 = arith.constant 16 : i32
    %mul3A_255 = arith.muli %add3A, %mul3A_254 : i32
    "tpu.region"() ({
      %run_scoped3A = tpu.sem_alloc : memref<!tpu.dma_semaphore, #tpu.memory_space<semaphore_mem>>
      %dma_start3A_256 = tpu.memref_slice %arg4[%mul3A_255] : memref<512xf32, #tpu.memory_space<hbm>> -> memref<16xf32, #tpu.memory_space<hbm>>
      %dma_start3A_257 = tpu.memref_slice %arg4[%mul3A_255] : memref<512xf32, #tpu.memory_space<hbm>> -> memref<16xf32, #tpu.memory_space<hbm>>
      tpu.enqueue_dma source(%arg9 : memref<16xf32, #tpu.memory_space<vmem>>) target(%dma_start3A_257 : memref<16xf32, #tpu.memory_space<hbm>>) target_semaphore(%run_scoped3A : memref<!tpu.dma_semaphore, #tpu.memory_space<semaphore_mem>>)
      %dma_wait3A_258 = tpu.memref_slice %arg4[%mul3A_255] : memref<512xf32, #tpu.memory_space<hbm>> -> memref<16xf32, #tpu.memory_space<hbm>>
      %dma_wait3A_259 = tpu.memref_slice %arg4[%mul3A_255] : memref<512xf32, #tpu.memory_space<hbm>> -> memref<16xf32, #tpu.memory_space<hbm>>
      tpu.wait_dma2 semaphore(%run_scoped3A : memref<!tpu.dma_semaphore, #tpu.memory_space<semaphore_mem>>) src(%arg9 : memref<16xf32, #tpu.memory_space<vmem>>) dst(%dma_wait3A_259 : memref<16xf32, #tpu.memory_space<hbm>>)
      tpu.yield
    }) : () -> ()
    return
  }
}

module attributes {stable_mosaic.version = 14 : i64} {
  func.func @_tc_loss_body(%arg0: i32, %arg1: memref<20x128x128xf32, #tpu.memory_space<vmem>>, %arg2: memref<20x128x128xf32, #tpu.memory_space<vmem>>, %arg3: memref<1420x128xf32, #tpu.memory_space<vmem>>) attributes {dimension_semantics = [#tpu.dimension_semantics<arbitrary>], iteration_bounds = array<i64: 71>, scalar_prefetch = 0 : i64, scratch_operands = 0 : i64, tpu.core_type = #tpu.core_type<tc>, window_params = [{transform_indices = @transform_0, window_bounds = array<i64: 20, 128, 128>}, {transform_indices = @transform_1, window_bounds = array<i64: 20, 128, 128>}, {pipeline_mode = #tpu.pipeline_mode<synchronous>, transform_indices = @transform_2, window_bounds = array<i64: 1420, 128>}]} {
    %get3A = arith.constant 0 : index
    %get3A_0 = arith.constant 0 : index
    %get3A_1 = arith.constant 0 : index
    %get3A_2 = vector.load %arg1[%get3A, %get3A_0, %get3A_1] : memref<20x128x128xf32, #tpu.memory_space<vmem>>, vector<20x128x128xf32>
    %get3A_3 = arith.constant 0 : index
    %get3A_4 = arith.constant 0 : index
    %get3A_5 = arith.constant 0 : index
    %get3A_6 = vector.load %arg2[%get3A_3, %get3A_4, %get3A_5] : memref<20x128x128xf32, #tpu.memory_space<vmem>>, vector<20x128x128xf32>
    %sub3A = arith.subf %get3A_2, %get3A_6 : vector<20x128x128xf32>
    %mul3A = arith.mulf %sub3A, %sub3A : vector<20x128x128xf32>
    %reduce_sum3A = arith.constant dense<0.000000e+00> : vector<20x128xf32>
    %reduce_sum3A_7 = vector.multi_reduction <add>, %mul3A, %reduce_sum3A [2] : vector<20x128x128xf32> to vector<20x128xf32>
    %mul3A_8 = arith.constant 7.812500e-03 : f32
    %mul3A_9 = vector.broadcast %mul3A_8 : f32 to vector<20x128xf32>
    %mul3A_10 = arith.mulf %reduce_sum3A_7, %mul3A_9 : vector<20x128xf32>
    %mul3A_11 = arith.constant 20 : i32
    %mul3A_12 = arith.muli %arg0, %mul3A_11 : i32
    %swap3A = arith.index_cast %mul3A_12 : i32 to index
    %swap3A_13 = arith.constant 0 : index
    %swap3A_14 = vector.load %arg3[%swap3A, %swap3A_13] : memref<1420x128xf32, #tpu.memory_space<vmem>>, vector<20x128xf32>
    tpu.vector_store %arg3[%swap3A, %swap3A_13], %mul3A_10 {strides = array<i32>} : memref<1420x128xf32, #tpu.memory_space<vmem>>, vector<20x128xf32>,
    return
  }
  func.func @transform_0(%arg0: i32) -> (i32, i32, i32) {
    %c0_i32 = arith.constant 0 : i32
    %c0_i32_0 = arith.constant 0 : i32
    %c0_i32_1 = arith.constant 0 : i32
    return %arg0, %c0_i32, %c0_i32_0 : i32, i32, i32
  }
  func.func @transform_1(%arg0: i32) -> (i32, i32, i32) {
    %c0_i32 = arith.constant 0 : i32
    %c0_i32_0 = arith.constant 0 : i32
    %c0_i32_1 = arith.constant 0 : i32
    return %arg0, %c0_i32, %c0_i32_0 : i32, i32, i32
  }
  func.func @transform_2(%arg0: i32) -> (i32, i32) {
    %c0_i32 = arith.constant 0 : i32
    %c0_i32_0 = arith.constant 0 : i32
    %c0_i32_1 = arith.constant 0 : i32
    return %c0_i32, %c0_i32_0 : i32, i32
  }
}

</mosaic_0001>

<sc_bundles>
// kernel: kernel.12.cloned.1.call-start
scs
__scs_entry_jumppad:
0x0: {  	(pc) =	sbr.rel $0x88, $3  }
0x1: {  	(tag) =	ssettag $0x0;
	lr =	simm.s32 $0x1  }
0x2: {  	[smem:$0x3F9E] =	sst lr;
	_ =	strace $0xD0000000  }
0x3: {  	_ = 	snop  }
0x4: {  	_ = 	snop  }
0x5: {  	_ = 	snop  }
0x6: {  	_ = 	snop  }
0x7: {  	_ = 	snop  }
__scs_overlays_trampoline_lowered:
0x8: {  	[smem:$0x3FAD] =	sst s0  }
0x9: {  	[smem:$0x3FAE] =	sst s1  }
0xa: {  	[smem:$0x3FAF] =	sst s2  }
0xb: {  	[smem:$0x3FB0] =	sst s3  }
0xc: {  	[smem:$0x3FB1] =	sst s4  }
0xd: {  	[smem:$0x3FB2] =	sst s5  }
0xe: {  	[smem:$0x3FB3] =	sst s6  }
0xf: {  	[smem:$0x3FB4] =	sst s7  }
0x10: {  	[smem:$0x3FB5] =	sst s8  }
0x11: {  	[smem:$0x3FB6] =	sst s9;
	s0 =	simm.s32 @!p0 $0x0  }
0x12: {  	s1 =	sld [smem:$0x3F9C];
	s0 =	simm.s32 @p0 $0x1  }
0x13: {  	[smem:$0x3FB7] =	sst s0;
	s0 =	simm.s32 @!p1 $0x0  }
0x14: {  	s2 =	sld [smem:$0x3F9B];
	s0 =	simm.s32 @p1 $0x1  }
0x15: {  	[smem:$0x3FB8] =	sst s0;
	s0 =	simm.s32 @!p2 $0x0  }
0x16: {  	s3 =	sld [smem:$0x3FDB];
	s0 =	simm.s32 @p2 $0x1  }
0x17: {  	s4 =	simm.s32 $0x1BF5;
	[smem:$0x3FBA] =	sst s0  }
0x18: {  	s0 =	sld [smem:$0x3F9D];
	_ =	swait.ge [sflag:s4], $0x0  }
0x19: {  	s7 =	sld [smem:$0x3F9E]  }
0x1a: {  	s8 =	sadd.s32 $0xFFFFE003, lr  }
0x1b: {  	s9 =	sadd.s32 $0xFFFFFEF7, lr;
	s5 =	simm.s32 $0xFFFFFFFF;
	p2 =	slt.u32 s8, $0xFFFFF086  }
0x1c: {  	p1 =	slt.u32 s9, $0xF7A;
	s5 =	simm.s32 @!p2 $0x0  }
0x1d: {  	s5 =	simm.s32 @p1 $0x1;
	p0 =	seq.s32 s7, s2  }
0x1e: {  	s7 =	smul.u32 @!p0 $0xF7A, s2;
	p2 =	seq.s32 @!p0 s5, $0x0  }
0x1f: {  	s9 =	smul.u32 $0xF7A, s1;
	s8 =	simm.s32 @!p0 $0x1BF5;
	p2 =	por !p2, p0  }
0x20: {  	[sflag:s8] =	ssyncset.s32 @!p0 $0xFFFFF086;
	s6 =	sadd.s32 @!p0 s3, s7;
	s7 =	simm.s32 @!p0 $0x108  }
0x21: {  	s3 =	sadd.s32 s3, s9;
	s6 =	sadd.s32 @!p0 $0x88, s6;
	s7 =	simm.s32 @p2 $0x1082  }
0x22: {  	[simem:s7], [sflag:s8] =	dma.local @!p0 [hbm:s6], $0xF7A  }
0x23: {  	s9 =	sor.u32 $0xD0000000, s2;
	s6 =	simm.s32 $0x108;
	_ =	swait.ge @!p0 [sflag:s8], $0x0  }
0x24: {  	s3 =	sadd.s32 $0x88, s3;
	s6 =	simm.s32 @!p1 $0x1082;
	[sflag:s4] =	ssyncset.s32 $0xFFFFF086  }
0x25: {  	[simem:s6], [sflag:s4] =	dma.local [hbm:s3], $0xF7A  }
0x26: {  	[smem:$0x3F9E] =	sst s1;
	(tag) =	ssettag s2;
	_ =	strace s9  }
0x27: {  	s1 =	sld [smem:$0x3FAE]  }
0x28: {  	s2 =	sld [smem:$0x3FAF]  }
0x29: {  	s4 =	sld [smem:$0x3FB1]  }
0x2a: {  	p0 =	seq.s32 s5, $0x0;
	s5 =	sld [smem:$0x3FB2]  }
0x2b: {  	s6 =	sld [smem:$0x3FB3]  }
0x2c: {  	s7 =	sld [smem:$0x3FB4]  }
0x2d: {  	s3 =	simm.s32 $0x108;
	s8 =	sld [smem:$0x3FB5]  }
0x2e: {  	s3 =	simm.s32 @!p0 $0x1082;
	s9 =	sld [smem:$0x3FB6]  }
0x2f: {  	lr =	sadd.s32 s0, s3;
	s0 =	sld [smem:$0x3FAD]  }
0x30: {  	s3 =	sld [smem:$0x3FB0]  }
0x31: {  	[smem:$0x3FB9] =	sst s10  }
0x32: {  	s10 =	sld [smem:$0x3FB7];
	_ =	sdelay $0x3  }
0x33: {  	p0 =	seq.s32 s10, $0x1;
	s10 =	sld [smem:$0x3FB9];
	_ =	sdelay $0x3  }
0x34: {  	[smem:$0x3FB9] =	sst s10  }
0x35: {  	s10 =	sld [smem:$0x3FB8];
	_ =	sdelay $0x3  }
0x36: {  	p1 =	seq.s32 s10, $0x1;
	s10 =	sld [smem:$0x3FB9];
	_ =	sdelay $0x3  }
0x37: {  	[smem:$0x3FB9] =	sst s10  }
0x38: {  	s10 =	sld [smem:$0x3FBA]  }
0x39: {  	_ = 	snop;
	(pc) =	sbr.ind lr, $3  }
0x3a: {  	_ = 	snop  }
0x3b: {  	_ = 	snop  }
0x3c: {  	p2 =	seq.s32 s10, $0x1;
	s10 =	sld [smem:$0x3FB9]  }
0x3d: {  	_ =	shalt  }
0x3e: {  	_ =	shalt  }
0x3f: {  	_ =	shalt  }
0x40: {  	_ =	shalt  }
0x41: {  	_ =	shalt  }
0x42: {  	_ =	shalt  }
0x43: {  	_ =	shalt  }
0x44: {  	_ =	shalt  }
0x45: {  	_ =	shalt  }
0x46: {  	_ =	shalt  }
0x47: {  	_ =	shalt  }
0x48: {  	_ =	shalt  }
0x49: {  	_ =	shalt  }
0x4a: {  	_ =	shalt  }
0x4b: {  	_ =	shalt  }
0x4c: {  	_ =	shalt  }
0x4d: {  	_ =	shalt  }
0x4e: {  	_ =	shalt  }
0x4f: {  	_ =	shalt  }
0x50: {  	_ =	shalt  }
0x51: {  	_ =	shalt  }
0x52: {  	_ =	shalt  }
0x53: {  	_ =	shalt  }
0x54: {  	_ =	shalt  }
0x55: {  	_ =	shalt  }
0x56: {  	_ =	shalt  }
0x57: {  	_ =	shalt  }
0x58: {  	_ =	shalt  }
0x59: {  	_ =	shalt  }
0x5a: {  	_ =	shalt  }
0x5b: {  	_ =	shalt  }
0x5c: {  	_ =	shalt  }
0x5d: {  	_ =	shalt  }
0x5e: {  	_ =	shalt  }
0x5f: {  	_ =	shalt  }
0x60: {  	_ =	shalt  }
0x61: {  	_ =	shalt  }
0x62: {  	_ =	shalt  }
0x63: {  	_ =	shalt  }
0x64: {  	_ =	shalt  }
0x65: {  	_ =	shalt  }
0x66: {  	_ =	shalt  }
0x67: {  	_ =	shalt  }
0x68: {  	_ =	shalt  }
0x69: {  	_ =	shalt  }
0x6a: {  	_ =	shalt  }
0x6b: {  	_ =	shalt  }
0x6c: {  	_ =	shalt  }
0x6d: {  	_ =	shalt  }
0x6e: {  	_ =	shalt  }
0x6f: {  	_ =	shalt  }
0x70: {  	_ =	shalt  }
0x71: {  	_ =	shalt  }
0x72: {  	_ =	shalt  }
0x73: {  	_ =	shalt  }
0x74: {  	_ =	shalt  }
0x75: {  	_ =	shalt  }
0x76: {  	_ =	shalt  }
0x77: {  	_ =	shalt  }
0x78: {  	_ =	shalt  }
0x79: {  	_ =	shalt  }
0x7a: {  	_ =	shalt  }
0x7b: {  	_ =	shalt  }
0x7c: {  	_ =	shalt  }
0x7d: {  	_ =	shalt  }
0x7e: {  	_ =	shalt  }
0x7f: {  	_ =	shalt  }
0x80: {  	_ =	shalt  }
0x81: {  	_ =	shalt  }
0x82: {  	_ =	shalt  }
0x83: {  	_ =	shalt  }
0x84: {  	_ =	shalt  }
0x85: {  	_ =	shalt  }
0x86: {  	_ =	shalt  }
0x87: {  	_ =	shalt  }
.Lfunc_end0:
.L_simem_size_0:
called_computation.2_lowered:
.L_overlay_start_0:
0x88: {  	s2 =	sld [smem:$0x3FD9]  }
0x89: {  	s3 =	sld [smem:$0x3FFE];
	_ =	sdelay $0x1  }
0x8a: {  	s1 =	srdreg.scid  }
0x8b: {  	s0 =	sand.u32 $0x1, s1  }
0x8c: {  	s17 =	sshll.u32 s0, $0xA;
	s2 =	sadd.s32 s3, s2  }
0x8d: {  	s2 =	sadd.s32 s2, s17  }
0x8e: {  	[smem:$0x3FC5] =	sst s2  }
0x8f: {  	_ = 	snop  }
0x90: {  	s2 =	sld [smem:$0x3FD0];
	(tm) =	ssettm $0x1  }
0x91: {  	s18 =	sld [smem:$0x3FFB];
	_ =	sdelay $0x3  }
0x92: {  	_ =	strace s18  }
0x93: {  	s3 =	sld [smem:$0x3FFC];
	_ =	sdelay $0x3  }
0x94: {  	_ =	strace s3  }
0x95: {  	s3 =	sld [smem:$0x3FFD];
	_ =	sdelay $0x3  }
0x96: {  	_ =	strace s3  }
0x97: {  	_ =	strace $0x8FFFFFFF  }
0x98: {  	s19 =	sld [smem:$0x3FDB];
	_ =	sdelay $0x1  }
0x99: {  	s4 =	simm.s32 $_scs_section_size  }
0x9a: {  	s5 =	simm.s32 $_size__tile_overlayer_lowered;
	s6 =	simm.s32 $_tile_overlayer_lowered  }
0x9b: {  	s22 =	simm.s32 $0x1BFF;
	s21 =	sshll.u32 s6, $0x1;
	s3 =	sadd.s32 s4, s19  }
0x9c: {  	s7 =	simm.s32 $0x0;
	s20 =	sshll.u32 s5, $0x1;
	s5 =	sadd.s32 s21, s3  }
0x9d: {  	[timem:s7], [sflag:s22] =	dma.local [hbm:s5], s20  }
0x9e: {  	_ =	swait.ge [sflag:s22], s20  }
0x9f: {  	s4 =	ssub.s32 $0x0, s20;
	[sflag:s22] =	ssyncset.done $0x0  }
0xa0: {  	[sflag:s22] =	ssyncadd.s32 s4;
	_ =	sdelay $0x1  }
0xa1: {  	s23 =	simm.s32 $0x1B8B  }
0xa2: {  	_ =	swait.ge [sflag:s23], $0x1  }
0xa3: {  	[sflag:s23] =	ssyncset.done $0x0  }
0xa4: {  	s25 =	simm.s32 $0x1B8E;
	s24 =	sld [smem:$0x3FFE];
	[sflag:s23] =	ssyncadd.s32 $0xFFFFFFFF  }
0xa5: {  	s26 =	simm.s32 $execute0_lowered;
	[smem:$0x3FD2] =	sst s25  }
0xa6: {  	s5 =	sshll.u32 s26, $0x1;
	_ =	strace $0x8000004C;
	[dreg:$0x1] =	wrdreg $0xFFFFFFFF  }
0xa7: {  	s28 =	simm.s32 $_size_execute0_lowered;
	s3 =	sadd.s32 s3, s5;
	[dreg:$0x0] =	wrdreg $0x0  }
0xa8: {  	s5 =	sshll.u32 s28, $0x1;
	[dreg:$0x2] =	wrdreg s3  }
0xa9: {  	[dreg:$0x3] =	wrdreg s5  }
0xaa: {  	[dreg:$0x4] =	wrdreg $0xC0  }
0xab: {  	_ =	task [dreg:s7], $0x5FFFF  }
0xac: {  	[dreg:$0x1] =	wrdreg $0xFFFFFFFF  }
0xad: {  	[dreg:$0x0] =	wrdreg $0x60  }
0xae: {  	[dreg:$0x2] =	wrdreg s24  }
0xaf: {  	[dreg:$0x3] =	wrdreg s2  }
0xb0: {  	[dreg:$0x4] =	wrdreg $0x9  }
0xb1: {  	_ =	task.clear_ibuf [dreg:s7], $0x5FFFF;
	_ =	strace $0x9000004C  }
0xb2: {  	s29 =	simm.s32 $0x9;
	_ =	strace $0x8000004E  }
0xb3: {  	_ =	swait.ge [sflag:s29], $0x1  }
0xb4: {  	[sflag:s29] =	ssyncadd.s32 $0xFFFFFFFF  }
0xb5: {  	_ =	strace $0x9000004E  }
0xb6: {  	_ =	sfence  }
0xb7: {  	s30 =	sld [smem:$0x0];
	_ =	sdelay $0x2  }
0xb8: {  	s31 =	sshll.u32 s1, $0xD;
	s1 =	sshrl.u32 s1, $0x2  }
0xb9: {  	s3 =	sand.u32 $0x4000, s31;
	s1 =	sadd.s32 s1, s30  }
0xba: {  	s0 =	sor.u32 s3, s0;
	s1 =	sshll.u32 s1, $0x11  }
0xbb: {  	s0 =	sor.u32 s1, s0  }
0xbc: {  	s0 =	sadd.s32 $0x8F2B, s0  }
0xbd: {  	[sflag:s0] =	ssyncadd.remote.s32 $0x1  }
0xbe: {  	_ =	sfence.sel $0xFFFF  }
0xbf: {  	[dreg:$0x0] =	wrdreg $0xFFFFFFFF;
	(pc) =	sbr.abs _section_cstart, $3  }
0xc0: {  	[dreg:$0x1] =	wrdreg $0xFFFFFFFF  }
0xc1: {  	_ =	task.clear_ibuf [dreg:s7], $0x2FFFF;
	_ =	strace $0x9FFFFFFF  }
0xc2: {  	(tm) =	ssettm $0x7FFFFFFF  }
0xc3: {  	_ =	shalt  }
tec
execute0_lowered:
.L_overlay_start_1:
0x0: {  	(tag) =	ssettag $0x1  }
0x1: {  	s3 =	rddreg [dreg:$0x0]  }
0x2: {  	s5 =	rddreg [dreg:$0x1]  }
0x3: {  	s2 =	srdreg.scid;
	s1 =	stileid.u32  }
0x4: {  	s0 =	rddreg [dreg:$0x2];
	s9 =	simm.s32 $0x2000;
	s10 =	simm.s32 $0x1  }
0x5: {  	v0 =	vlaneseq.u32;
	s11 =	simm.s32 $0x2;
	s12 =	simm.s32 $0x4000;
	s13 =	simm.s32 $0x4100  }
0x6: {  	s14 =	simm.s32 $0x4200;
	s15 =	simm.s32 $0x3;
	s16 =	simm.s32 $0x0;
	v0 =	vmul.u32 $0x10, v0  }
0x7: {  	v1 =	vimm.f32 $0.0e+00;
	s4 =	sand.u32 $0x1, s2;
	s6 =	sshll.u32 s1, $0x1;
	s2 =	simm.s32 $0x0  }
0x8: {  	s6 =	sor.u32 s4, s6;
	s4 =	ssub.s32 $0x2, s4;
	[smem:$0x7FF] =	sst s2;
	v2 =	vor.u32 $0x1, v0;
	v3 =	vor.u32 $0x2, v0;
	v4 =	vor.u32 $0x3, v0  }
0x9: {  	s7 =	sshll.u32 s6, $0x8;
	s8 =	sshrl.u32 s4, $0x1;
	_ =	strace $0x8000004D;
	v5 =	vor.u32 $0x4, v0;
	v6 =	vor.u32 $0x5, v0;
	v7 =	vor.u32 $0x6, v0  }
0xa: {  	s6 =	sshll.u32 s6, $0x1;
	v8 =	vor.u32 $0x7, v0;
	v9 =	vor.u32 $0x8, v0;
	v10 =	vor.u32 $0x9, v0;
	s7 =	sadd.s32 s7, s3;
	s8 =	ssub.s32 s4, s8  }
0xb: {  	v11 =	vor.u32 $0xA, v0;
	v12 =	vor.u32 $0xB, v0;
	v13 =	vor.u32 $0xC, v0;
	s5 =	sadd.s32 s5, s6;
	s3 =	sadd.s32 $0x16C00, s7;
	s4 =	sadd.s32 $0x9200, s7  }
0xc: {  	v14 =	vor.u32 $0xD, v0;
	v15 =	vor.u32 $0xE, v0;
	v16 =	vor.u32 $0xF, v0;
	s6 =	smax.u32 s8, $0x1;
	s7 =	simm.s32 $0x800;
	s8 =	simm.s32 $0x10000  }
.LBB2_1:
0xd: {  	[tilespmem:s2], [sflag:$0x1] =	stream.strided.gather [hbm4b:s3+s7], $0x2000, s8, s7, $0x38;
	[tilespmem:$0x4280] =	vst v63  }
0xe: {  	_ = 	snop  }
0xf: {  	[tilespmem:s9], [sflag:$0x2] =	stream.strided.gather [hbm4b:s4+s7], $0x2000, s8, s7, $0x38;
	[tilespmem:$0x4280] =	vst v63  }
0x10: {  	_ =	swait.ge [sflag:s10], $0x2000  }
0x11: {  	[sflag:s10] =	ssyncset.done $0x0  }
0x12: {  	[sflag:s10] =	ssyncadd.s32 $0xFFFFE000  }
0x13: {  	_ =	swait.ge [sflag:s11], $0x2000  }
0x14: {  	[sflag:s11] =	ssyncset.done $0x0  }
0x15: {  	[sflag:s11] =	ssyncadd.s32 $0xFFFFE000  }
0x16: {  	[tilespmem:$0x4000] =	vst v1  }
0x17: {  	[tilespmem:$0x4100] =	vst v1  }
0x18: {  	[tilespmem:$0x4010] =	vst v1  }
0x19: {  	[tilespmem:$0x4110] =	vst v1  }
0x1a: {  	[tilespmem:$0x4020] =	vst v1  }
0x1b: {  	[tilespmem:$0x4120] =	vst v1  }
0x1c: {  	[tilespmem:$0x4030] =	vst v1  }
0x1d: {  	[tilespmem:$0x4130] =	vst v1  }
0x1e: {  	[tilespmem:$0x4040] =	vst v1  }
0x1f: {  	[tilespmem:$0x4140] =	vst v1  }
0x20: {  	[tilespmem:$0x4050] =	vst v1  }
0x21: {  	[tilespmem:$0x4150] =	vst v1  }
0x22: {  	[tilespmem:$0x4060] =	vst v1  }
0x23: {  	[tilespmem:$0x4160] =	vst v1  }
0x24: {  	[tilespmem:$0x4070] =	vst v1  }
0x25: {  	[tilespmem:$0x4170] =	vst v1  }
0x26: {  	[tilespmem:$0x4080] =	vst v1  }
0x27: {  	[tilespmem:$0x4180] =	vst v1  }
0x28: {  	[tilespmem:$0x4090] =	vst v1  }
0x29: {  	[tilespmem:$0x4190] =	vst v1  }
0x2a: {  	[tilespmem:$0x40A0] =	vst v1  }
0x2b: {  	[tilespmem:$0x41A0] =	vst v1  }
0x2c: {  	[tilespmem:$0x40B0] =	vst v1  }
0x2d: {  	[tilespmem:$0x41B0] =	vst v1  }
0x2e: {  	[tilespmem:$0x40C0] =	vst v1  }
0x2f: {  	[tilespmem:$0x41C0] =	vst v1  }
0x30: {  	[tilespmem:$0x40D0] =	vst v1  }
0x31: {  	[tilespmem:$0x41D0] =	vst v1  }
0x32: {  	[tilespmem:$0x40E0] =	vst v1  }
0x33: {  	[tilespmem:$0x41E0] =	vst v1  }
0x34: {  	s17 =	sand.u32 $0x1800, s2;
	s18 =	sand.u32 $0x380, s2;
	[tilespmem:$0x40F0] =	vst v1  }
0x35: {  	s17 =	sor.u32 s18, s17;
	[tilespmem:$0x41F0] =	vst v1;
	v17 =	vld [tilespmem:$0x4000]  }
0x36: {  	v18 =	vld [tilespmem:s17+$0x0];
	_ =	sdelay $0x4  }
0x37: {  	v17 =	vadd.f32 v18, v17;
	_ =	sdelay $0x1  }
0x38: {  	[tilespmem:$0x4000] =	vst v17;
	v17 =	vld [tilespmem:$0x4100]  }
0x39: {  	v18 =	vld [tilespmem:s17+$0x2000];
	_ =	sdelay $0x4  }
0x3a: {  	v17 =	vadd.f32 v18, v17;
	_ =	sdelay $0x1  }
0x3b: {  	[tilespmem:$0x4100] =	vst v17;
	v17 =	vld [tilespmem:$0x4010]  }
0x3c: {  	v18 =	vld [tilespmem:s17+$0x10];
	_ =	sdelay $0x4  }
0x3d: {  	v17 =	vadd.f32 v18, v17;
	_ =	sdelay $0x1  }
0x3e: {  	[tilespmem:$0x4010] =	vst v17;
	v17 =	vld [tilespmem:$0x4110]  }
0x3f: {  	v18 =	vld [tilespmem:s17+$0x2010];
	_ =	sdelay $0x4  }
0x40: {  	v17 =	vadd.f32 v18, v17;
	_ =	sdelay $0x1  }
0x41: {  	[tilespmem:$0x4110] =	vst v17;
	v17 =	vld [tilespmem:$0x4020]  }
0x42: {  	v18 =	vld [tilespmem:s17+$0x20];
	_ =	sdelay $0x4  }
0x43: {  	v17 =	vadd.f32 v18, v17;
	_ =	sdelay $0x1  }
0x44: {  	[tilespmem:$0x4020] =	vst v17;
	v17 =	vld [tilespmem:$0x4120]  }
0x45: {  	v18 =	vld [tilespmem:s17+$0x2020];
	_ =	sdelay $0x4  }
0x46: {  	v17 =	vadd.f32 v18, v17;
	_ =	sdelay $0x1  }
0x47: {  	[tilespmem:$0x4120] =	vst v17;
	v17 =	vld [tilespmem:$0x4030]  }
0x48: {  	v18 =	vld [tilespmem:s17+$0x30];
	_ =	sdelay $0x4  }
0x49: {  	v17 =	vadd.f32 v18, v17;
	_ =	sdelay $0x1  }
0x4a: {  	[tilespmem:$0x4030] =	vst v17;
	v17 =	vld [tilespmem:$0x4130]  }
0x4b: {  	v18 =	vld [tilespmem:s17+$0x2030];
	_ =	sdelay $0x4  }
0x4c: {  	v17 =	vadd.f32 v18, v17;
	_ =	sdelay $0x1  }
0x4d: {  	[tilespmem:$0x4130] =	vst v17;
	v17 =	vld [tilespmem:$0x4040]  }
0x4e: {  	v18 =	vld [tilespmem:s17+$0x40];
	_ =	sdelay $0x4  }
0x4f: {  	v17 =	vadd.f32 v18, v17;
	_ =	sdelay $0x1  }
0x50: {  	[tilespmem:$0x4040] =	vst v17;
	v17 =	vld [tilespmem:$0x4140]  }
0x51: {  	v18 =	vld [tilespmem:s17+$0x2040];
	_ =	sdelay $0x4  }
0x52: {  	v17 =	vadd.f32 v18, v17;
	_ =	sdelay $0x1  }
0x53: {  	[tilespmem:$0x4140] =	vst v17;
	v17 =	vld [tilespmem:$0x4050]  }
0x54: {  	v18 =	vld [tilespmem:s17+$0x50];
	_ =	sdelay $0x4  }
0x55: {  	v17 =	vadd.f32 v18, v17;
	_ =	sdelay $0x1  }
0x56: {  	[tilespmem:$0x4050] =	vst v17;
	v17 =	vld [tilespmem:$0x4150]  }
0x57: {  	v18 =	vld [tilespmem:s17+$0x2050];
	_ =	sdelay $0x4  }
0x58: {  	v17 =	vadd.f32 v18, v17;
	_ =	sdelay $0x1  }
0x59: {  	[tilespmem:$0x4150] =	vst v17;
	v17 =	vld [tilespmem:$0x4060]  }
0x5a: {  	v18 =	vld [tilespmem:s17+$0x60];
	_ =	sdelay $0x4  }
0x5b: {  	v17 =	vadd.f32 v18, v17;
	_ =	sdelay $0x1  }
0x5c: {  	[tilespmem:$0x4060] =	vst v17;
	v17 =	vld [tilespmem:$0x4160]  }
0x5d: {  	v18 =	vld [tilespmem:s17+$0x2060];
	_ =	sdelay $0x4  }
0x5e: {  	v17 =	vadd.f32 v18, v17;
	_ =	sdelay $0x1  }
0x5f: {  	[tilespmem:$0x4160] =	vst v17;
	v17 =	vld [tilespmem:$0x4070]  }
0x60: {  	v18 =	vld [tilespmem:s17+$0x70];
	_ =	sdelay $0x4  }
0x61: {  	v17 =	vadd.f32 v18, v17;
	_ =	sdelay $0x1  }
0x62: {  	[tilespmem:$0x4070] =	vst v17;
	v17 =	vld [tilespmem:$0x4170]  }
0x63: {  	v18 =	vld [tilespmem:s17+$0x2070];
	_ =	sdelay $0x4  }
0x64: {  	v17 =	vadd.f32 v18, v17;
	_ =	sdelay $0x1  }
0x65: {  	[tilespmem:$0x4170] =	vst v17;
	v17 =	vld [tilespmem:$0x4080]  }
0x66: {  	v18 =	vld [tilespmem:s17+$0x400];
	_ =	sdelay $0x4  }
0x67: {  	v17 =	vadd.f32 v18, v17;
	_ =	sdelay $0x1  }
0x68: {  	[tilespmem:$0x4080] =	vst v17;
	v17 =	vld [tilespmem:$0x4180]  }
0x69: {  	v18 =	vld [tilespmem:s17+$0x2400];
	_ =	sdelay $0x4  }
0x6a: {  	v17 =	vadd.f32 v18, v17;
	_ =	sdelay $0x1  }
0x6b: {  	[tilespmem:$0x4180] =	vst v17;
	v17 =	vld [tilespmem:$0x4090]  }
0x6c: {  	v18 =	vld [tilespmem:s17+$0x410];
	_ =	sdelay $0x4  }
0x6d: {  	v17 =	vadd.f32 v18, v17;
	_ =	sdelay $0x1  }
0x6e: {  	[tilespmem:$0x4090] =	vst v17;
	v17 =	vld [tilespmem:$0x4190]  }
0x6f: {  	v18 =	vld [tilespmem:s17+$0x2410];
	_ =	sdelay $0x4  }
0x70: {  	v17 =	vadd.f32 v18, v17;
	_ =	sdelay $0x1  }
0x71: {  	[tilespmem:$0x4190] =	vst v17;
	v17 =	vld [tilespmem:$0x40A0]  }
0x72: {  	v18 =	vld [tilespmem:s17+$0x420];
	_ =	sdelay $0x4  }
0x73: {  	v17 =	vadd.f32 v18, v17;
	_ =	sdelay $0x1  }
0x74: {  	[tilespmem:$0x40A0] =	vst v17;
	v17 =	vld [tilespmem:$0x41A0]  }
0x75: {  	v18 =	vld [tilespmem:s17+$0x2420];
	_ =	sdelay $0x4  }
0x76: {  	v17 =	vadd.f32 v18, v17;
	_ =	sdelay $0x1  }
0x77: {  	[tilespmem:$0x41A0] =	vst v17;
	v17 =	vld [tilespmem:$0x40B0]  }
0x78: {  	v18 =	vld [tilespmem:s17+$0x430];
	_ =	sdelay $0x4  }
0x79: {  	v17 =	vadd.f32 v18, v17;
	_ =	sdelay $0x1  }
0x7a: {  	[tilespmem:$0x40B0] =	vst v17;
	v17 =	vld [tilespmem:$0x41B0]  }
0x7b: {  	v18 =	vld [tilespmem:s17+$0x2430];
	_ =	sdelay $0x4  }
0x7c: {  	v17 =	vadd.f32 v18, v17;
	_ =	sdelay $0x1  }
0x7d: {  	[tilespmem:$0x41B0] =	vst v17;
	v17 =	vld [tilespmem:$0x40C0]  }
0x7e: {  	v18 =	vld [tilespmem:s17+$0x440];
	_ =	sdelay $0x4  }
0x7f: {  	v17 =	vadd.f32 v18, v17;
	_ =	sdelay $0x1  }
0x80: {  	[tilespmem:$0x40C0] =	vst v17;
	v17 =	vld [tilespmem:$0x41C0]  }
0x81: {  	v18 =	vld [tilespmem:s17+$0x2440];
	_ =	sdelay $0x4  }
0x82: {  	v17 =	vadd.f32 v18, v17;
	_ =	sdelay $0x1  }
0x83: {  	[tilespmem:$0x41C0] =	vst v17;
	v17 =	vld [tilespmem:$0x40D0]  }
0x84: {  	v18 =	vld [tilespmem:s17+$0x450];
	_ =	sdelay $0x4  }
0x85: {  	v17 =	vadd.f32 v18, v17;
	_ =	sdelay $0x1  }
0x86: {  	[tilespmem:$0x40D0] =	vst v17;
	v17 =	vld [tilespmem:$0x41D0]  }
0x87: {  	v18 =	vld [tilespmem:s17+$0x2450];
	_ =	sdelay $0x4  }
0x88: {  	v17 =	vadd.f32 v18, v17;
	_ =	sdelay $0x1  }
0x89: {  	[tilespmem:$0x41D0] =	vst v17;
	v17 =	vld [tilespmem:$0x40E0]  }
0x8a: {  	v18 =	vld [tilespmem:s17+$0x460];
	_ =	sdelay $0x4  }
0x8b: {  	v17 =	vadd.f32 v18, v17;
	_ =	sdelay $0x1  }
0x8c: {  	[tilespmem:$0x40E0] =	vst v17;
	v17 =	vld [tilespmem:$0x41E0]  }
0x8d: {  	v18 =	vld [tilespmem:s17+$0x2460];
	_ =	sdelay $0x4  }
0x8e: {  	v17 =	vadd.f32 v18, v17;
	_ =	sdelay $0x1  }
0x8f: {  	[tilespmem:$0x41E0] =	vst v17;
	v17 =	vld [tilespmem:$0x40F0]  }
0x90: {  	v18 =	vld [tilespmem:s17+$0x470];
	_ =	sdelay $0x4  }
0x91: {  	v17 =	vadd.f32 v18, v17;
	_ =	sdelay $0x1  }
0x92: {  	[tilespmem:$0x40F0] =	vst v17;
	v17 =	vld [tilespmem:$0x41F0]  }
0x93: {  	v18 =	vld [tilespmem:s17+$0x2470];
	_ =	sdelay $0x4  }
0x94: {  	s31 =	simm.s32 $0x100;
	s17 =	simm.s32 $0x80;
	v17 =	vadd.f32 v18, v17  }
0x95: {  	s19 =	sand.u32 $0x1800, s31;
	s18 =	simm.s32 $0x200;
	s20 =	sand.u32 $0x380, s17  }
.LBB2_2:
0x96: {  	p0 =	sne.s32 s18, $0x1F00;
	v18 =	vld [tilespmem:$0x4000];
	s19 =	sor.u32 s20, s19;
	[tilespmem:$0x41F0] =	vst v17  }
0x97: {  	v17 =	vld [tilespmem:s19+$0x0];
	_ =	sdelay $0x4  }
0x98: {  	v17 =	vadd.f32 v17, v18;
	_ =	sdelay $0x1  }
0x99: {  	[tilespmem:$0x4000] =	vst v17;
	v17 =	vld [tilespmem:$0x4100]  }
0x9a: {  	v18 =	vld [tilespmem:s19+$0x2000];
	_ =	sdelay $0x4  }
0x9b: {  	v17 =	vadd.f32 v18, v17;
	_ =	sdelay $0x1  }
0x9c: {  	[tilespmem:$0x4100] =	vst v17;
	v17 =	vld [tilespmem:$0x4010]  }
0x9d: {  	v18 =	vld [tilespmem:s19+$0x10];
	_ =	sdelay $0x4  }
0x9e: {  	v17 =	vadd.f32 v18, v17;
	_ =	sdelay $0x1  }
0x9f: {  	[tilespmem:$0x4010] =	vst v17;
	v17 =	vld [tilespmem:$0x4110]  }
0xa0: {  	v18 =	vld [tilespmem:s19+$0x2010];
	_ =	sdelay $0x4  }
0xa1: {  	v17 =	vadd.f32 v18, v17;
	_ =	sdelay $0x1  }
0xa2: {  	[tilespmem:$0x4110] =	vst v17;
	v17 =	vld [tilespmem:$0x4020]  }
0xa3: {  	v18 =	vld [tilespmem:s19+$0x20];
	_ =	sdelay $0x4  }
0xa4: {  	v17 =	vadd.f32 v18, v17;
	_ =	sdelay $0x1  }
0xa5: {  	[tilespmem:$0x4020] =	vst v17;
	v17 =	vld [tilespmem:$0x4120]  }
0xa6: {  	v18 =	vld [tilespmem:s19+$0x2020];
	_ =	sdelay $0x4  }
0xa7: {  	v17 =	vadd.f32 v18, v17;
	_ =	sdelay $0x1  }
0xa8: {  	[tilespmem:$0x4120] =	vst v17;
	v17 =	vld [tilespmem:$0x4030]  }
0xa9: {  	v18 =	vld [tilespmem:s19+$0x30];
	_ =	sdelay $0x4  }
0xaa: {  	v17 =	vadd.f32 v18, v17;
	_ =	sdelay $0x1  }
0xab: {  	[tilespmem:$0x4030] =	vst v17;
	v17 =	vld [tilespmem:$0x4130]  }
0xac: {  	v18 =	vld [tilespmem:s19+$0x2030];
	_ =	sdelay $0x4  }
0xad: {  	v17 =	vadd.f32 v18, v17;
	_ =	sdelay $0x1  }
0xae: {  	[tilespmem:$0x4130] =	vst v17;
	v17 =	vld [tilespmem:$0x4040]  }
0xaf: {  	v18 =	vld [tilespmem:s19+$0x40];
	_ =	sdelay $0x4  }
0xb0: {  	v17 =	vadd.f32 v18, v17;
	_ =	sdelay $0x1  }
0xb1: {  	[tilespmem:$0x4040] =	vst v17;
	v17 =	vld [tilespmem:$0x4140]  }
0xb2: {  	v18 =	vld [tilespmem:s19+$0x2040];
	_ =	sdelay $0x4  }
0xb3: {  	v17 =	vadd.f32 v18, v17;
	_ =	sdelay $0x1  }
0xb4: {  	[tilespmem:$0x4140] =	vst v17;
	v17 =	vld [tilespmem:$0x4050]  }
0xb5: {  	v18 =	vld [tilespmem:s19+$0x50];
	_ =	sdelay $0x4  }
0xb6: {  	v17 =	vadd.f32 v18, v17;
	_ =	sdelay $0x1  }
0xb7: {  	[tilespmem:$0x4050] =	vst v17;
	v17 =	vld [tilespmem:$0x4150]  }
0xb8: {  	v18 =	vld [tilespmem:s19+$0x2050];
	_ =	sdelay $0x4  }
0xb9: {  	v17 =	vadd.f32 v18, v17;
	_ =	sdelay $0x1  }
0xba: {  	[tilespmem:$0x4150] =	vst v17;
	v17 =	vld [tilespmem:$0x4060]  }
0xbb: {  	v18 =	vld [tilespmem:s19+$0x60];
	_ =	sdelay $0x4  }
0xbc: {  	v17 =	vadd.f32 v18, v17;
	_ =	sdelay $0x1  }
0xbd: {  	[tilespmem:$0x4060] =	vst v17;
	v17 =	vld [tilespmem:$0x4160]  }
0xbe: {  	v18 =	vld [tilespmem:s19+$0x2060];
	_ =	sdelay $0x4  }
0xbf: {  	v17 =	vadd.f32 v18, v17;
	_ =	sdelay $0x1  }
0xc0: {  	[tilespmem:$0x4160] =	vst v17;
	v17 =	vld [tilespmem:$0x4070]  }
0xc1: {  	v18 =	vld [tilespmem:s19+$0x70];
	_ =	sdelay $0x4  }
0xc2: {  	v17 =	vadd.f32 v18, v17;
	_ =	sdelay $0x1  }
0xc3: {  	[tilespmem:$0x4070] =	vst v17;
	v17 =	vld [tilespmem:$0x4170]  }
0xc4: {  	v18 =	vld [tilespmem:s19+$0x2070];
	_ =	sdelay $0x4  }
0xc5: {  	v17 =	vadd.f32 v18, v17;
	_ =	sdelay $0x1  }
0xc6: {  	[tilespmem:$0x4170] =	vst v17;
	v17 =	vld [tilespmem:$0x4080]  }
0xc7: {  	v18 =	vld [tilespmem:s19+$0x400];
	_ =	sdelay $0x4  }
0xc8: {  	v17 =	vadd.f32 v18, v17;
	_ =	sdelay $0x1  }
0xc9: {  	[tilespmem:$0x4080] =	vst v17;
	v17 =	vld [tilespmem:$0x4180]  }
0xca: {  	v18 =	vld [tilespmem:s19+$0x2400];
	_ =	sdelay $0x4  }
0xcb: {  	v17 =	vadd.f32 v18, v17;
	_ =	sdelay $0x1  }
0xcc: {  	[tilespmem:$0x4180] =	vst v17;
	v17 =	vld [tilespmem:$0x4090]  }
0xcd: {  	v18 =	vld [tilespmem:s19+$0x410];
	_ =	sdelay $0x4  }
0xce: {  	v17 =	vadd.f32 v18, v17;
	_ =	sdelay $0x1  }
0xcf: {  	[tilespmem:$0x4090] =	vst v17;
	v17 =	vld [tilespmem:$0x4190]  }
0xd0: {  	v18 =	vld [tilespmem:s19+$0x2410];
	_ =	sdelay $0x4  }
0xd1: {  	v17 =	vadd.f32 v18, v17;
	_ =	sdelay $0x1  }
0xd2: {  	[tilespmem:$0x4190] =	vst v17;
	v17 =	vld [tilespmem:$0x40A0]  }
0xd3: {  	v18 =	vld [tilespmem:s19+$0x420];
	_ =	sdelay $0x4  }
0xd4: {  	v17 =	vadd.f32 v18, v17;
	_ =	sdelay $0x1  }
0xd5: {  	[tilespmem:$0x40A0] =	vst v17;
	v17 =	vld [tilespmem:$0x41A0]  }
0xd6: {  	v18 =	vld [tilespmem:s19+$0x2420];
	_ =	sdelay $0x4  }
0xd7: {  	v17 =	vadd.f32 v18, v17;
	_ =	sdelay $0x1  }
0xd8: {  	[tilespmem:$0x41A0] =	vst v17;
	v17 =	vld [tilespmem:$0x40B0]  }
0xd9: {  	v18 =	vld [tilespmem:s19+$0x430];
	_ =	sdelay $0x4  }
0xda: {  	v17 =	vadd.f32 v18, v17;
	_ =	sdelay $0x1  }
0xdb: {  	[tilespmem:$0x40B0] =	vst v17;
	v17 =	vld [tilespmem:$0x41B0]  }
0xdc: {  	v18 =	vld [tilespmem:s19+$0x2430];
	_ =	sdelay $0x4  }
0xdd: {  	v17 =	vadd.f32 v18, v17;
	_ =	sdelay $0x1  }
0xde: {  	[tilespmem:$0x41B0] =	vst v17;
	v17 =	vld [tilespmem:$0x40C0]  }
0xdf: {  	v18 =	vld [tilespmem:s19+$0x440];
	_ =	sdelay $0x4  }
0xe0: {  	v17 =	vadd.f32 v18, v17;
	_ =	sdelay $0x1  }
0xe1: {  	[tilespmem:$0x40C0] =	vst v17;
	v17 =	vld [tilespmem:$0x41C0]  }
0xe2: {  	v18 =	vld [tilespmem:s19+$0x2440];
	_ =	sdelay $0x4  }
0xe3: {  	v17 =	vadd.f32 v18, v17;
	_ =	sdelay $0x1  }
0xe4: {  	[tilespmem:$0x41C0] =	vst v17;
	v17 =	vld [tilespmem:$0x40D0]  }
0xe5: {  	v18 =	vld [tilespmem:s19+$0x450];
	_ =	sdelay $0x4  }
0xe6: {  	v17 =	vadd.f32 v18, v17;
	_ =	sdelay $0x1  }
0xe7: {  	[tilespmem:$0x40D0] =	vst v17;
	v17 =	vld [tilespmem:$0x41D0]  }
0xe8: {  	v18 =	vld [tilespmem:s19+$0x2450];
	_ =	sdelay $0x4  }
0xe9: {  	v17 =	vadd.f32 v18, v17;
	_ =	sdelay $0x1  }
0xea: {  	[tilespmem:$0x41D0] =	vst v17;
	v17 =	vld [tilespmem:$0x40E0]  }
0xeb: {  	v18 =	vld [tilespmem:s19+$0x460];
	_ =	sdelay $0x4  }
0xec: {  	v17 =	vadd.f32 v18, v17;
	_ =	sdelay $0x1  }
0xed: {  	[tilespmem:$0x40E0] =	vst v17;
	v17 =	vld [tilespmem:$0x41E0]  }
0xee: {  	v18 =	vld [tilespmem:s19+$0x2460];
	_ =	sdelay $0x4  }
0xef: {  	v17 =	vadd.f32 v18, v17;
	_ =	sdelay $0x1  }
0xf0: {  	[tilespmem:$0x41E0] =	vst v17;
	v17 =	vld [tilespmem:$0x40F0]  }
0xf1: {  	v18 =	vld [tilespmem:s19+$0x470];
	_ =	sdelay $0x4  }
0xf2: {  	v17 =	vadd.f32 v18, v17;
	_ =	sdelay $0x1  }
0xf3: {  	[tilespmem:$0x40F0] =	vst v17;
	v17 =	vld [tilespmem:$0x41F0]  }
0xf4: {  	v18 =	vld [tilespmem:s19+$0x2470];
	_ =	sdelay $0x1  }
.Ltmp0:
0xf5: {  	(pc) =	sbr.rel @p0 .LBB2_2-.Ltmp0, $3  }
0xf6: {  	_ =	sdelay $0x1  }
0xf7: {  	s17 =	sadd.s32 $0x80, s17;
	v17 =	vadd.f32 v18, v17  }
0xf8: {  	s20 =	sand.u32 $0x380, s17;
	s19 =	sand.u32 $0x1800, s18;
	s18 =	sadd.s32 $0x100, s18  }
0xf9: {  	v18 =	vld [tilespmem:$0x4000];
	s17 =	sor.u32 s20, s19;
	[tilespmem:$0x41F0] =	vst v17  }
0xfa: {  	v17 =	vld [tilespmem:s17+$0x0];
	_ =	sdelay $0x4  }
0xfb: {  	v17 =	vadd.f32 v17, v18;
	_ =	sdelay $0x1  }
0xfc: {  	[tilespmem:$0x4000] =	vst v17;
	v17 =	vld [tilespmem:$0x4100]  }
0xfd: {  	v18 =	vld [tilespmem:s17+$0x2000];
	_ =	sdelay $0x4  }
0xfe: {  	v17 =	vadd.f32 v18, v17;
	_ =	sdelay $0x1  }
0xff: {  	[tilespmem:$0x4100] =	vst v17;
	v17 =	vld [tilespmem:$0x4010]  }
0x100: {  	v18 =	vld [tilespmem:s17+$0x10];
	_ =	sdelay $0x4  }
0x101: {  	v17 =	vadd.f32 v18, v17;
	_ =	sdelay $0x1  }
0x102: {  	[tilespmem:$0x4010] =	vst v17;
	v17 =	vld [tilespmem:$0x4110]  }
0x103: {  	v18 =	vld [tilespmem:s17+$0x2010];
	_ =	sdelay $0x4  }
0x104: {  	v17 =	vadd.f32 v18, v17;
	_ =	sdelay $0x1  }
0x105: {  	[tilespmem:$0x4110] =	vst v17;
	v17 =	vld [tilespmem:$0x4020]  }
0x106: {  	v18 =	vld [tilespmem:s17+$0x20];
	_ =	sdelay $0x4  }
0x107: {  	v17 =	vadd.f32 v18, v17;
	_ =	sdelay $0x1  }
0x108: {  	[tilespmem:$0x4020] =	vst v17;
	v17 =	vld [tilespmem:$0x4120]  }
0x109: {  	v18 =	vld [tilespmem:s17+$0x2020];
	_ =	sdelay $0x4  }
0x10a: {  	v17 =	vadd.f32 v18, v17;
	_ =	sdelay $0x1  }
0x10b: {  	[tilespmem:$0x4120] =	vst v17;
	v17 =	vld [tilespmem:$0x4030]  }
0x10c: {  	v18 =	vld [tilespmem:s17+$0x30];
	_ =	sdelay $0x4  }
0x10d: {  	v17 =	vadd.f32 v18, v17;
	_ =	sdelay $0x1  }
0x10e: {  	[tilespmem:$0x4030] =	vst v17;
	v17 =	vld [tilespmem:$0x4130]  }
0x10f: {  	v18 =	vld [tilespmem:s17+$0x2030];
	_ =	sdelay $0x4  }
0x110: {  	v17 =	vadd.f32 v18, v17;
	_ =	sdelay $0x1  }
0x111: {  	[tilespmem:$0x4130] =	vst v17;
	v17 =	vld [tilespmem:$0x4040]  }
0x112: {  	v18 =	vld [tilespmem:s17+$0x40];
	_ =	sdelay $0x4  }
0x113: {  	v17 =	vadd.f32 v18, v17;
	_ =	sdelay $0x1  }
0x114: {  	[tilespmem:$0x4040] =	vst v17;
	v17 =	vld [tilespmem:$0x4140]  }
0x115: {  	v18 =	vld [tilespmem:s17+$0x2040];
	_ =	sdelay $0x4  }
0x116: {  	v17 =	vadd.f32 v18, v17;
	_ =	sdelay $0x1  }
0x117: {  	[tilespmem:$0x4140] =	vst v17;
	v17 =	vld [tilespmem:$0x4050]  }
0x118: {  	v18 =	vld [tilespmem:s17+$0x50];
	_ =	sdelay $0x4  }
0x119: {  	v17 =	vadd.f32 v18, v17;
	_ =	sdelay $0x1  }
0x11a: {  	[tilespmem:$0x4050] =	vst v17;
	v17 =	vld [tilespmem:$0x4150]  }
0x11b: {  	v18 =	vld [tilespmem:s17+$0x2050];
	_ =	sdelay $0x4  }
0x11c: {  	v17 =	vadd.f32 v18, v17;
	_ =	sdelay $0x1  }
0x11d: {  	[tilespmem:$0x4150] =	vst v17;
	v17 =	vld [tilespmem:$0x4060]  }
0x11e: {  	v18 =	vld [tilespmem:s17+$0x60];
	_ =	sdelay $0x4  }
0x11f: {  	v17 =	vadd.f32 v18, v17;
	_ =	sdelay $0x1  }
0x120: {  	[tilespmem:$0x4060] =	vst v17;
	v17 =	vld [tilespmem:$0x4160]  }
0x121: {  	v18 =	vld [tilespmem:s17+$0x2060];
	_ =	sdelay $0x4  }
0x122: {  	v17 =	vadd.f32 v18, v17;
	_ =	sdelay $0x1  }
0x123: {  	[tilespmem:$0x4160] =	vst v17;
	v17 =	vld [tilespmem:$0x4070]  }
0x124: {  	v18 =	vld [tilespmem:s17+$0x70];
	_ =	sdelay $0x4  }
0x125: {  	v17 =	vadd.f32 v18, v17;
	_ =	sdelay $0x1  }
0x126: {  	[tilespmem:$0x4070] =	vst v17;
	v17 =	vld [tilespmem:$0x4170]  }
0x127: {  	v18 =	vld [tilespmem:s17+$0x2070];
	_ =	sdelay $0x4  }
0x128: {  	v17 =	vadd.f32 v18, v17;
	_ =	sdelay $0x1  }
0x129: {  	[tilespmem:$0x4170] =	vst v17;
	v17 =	vld [tilespmem:$0x4080]  }
0x12a: {  	v18 =	vld [tilespmem:s17+$0x400];
	_ =	sdelay $0x4  }
0x12b: {  	v17 =	vadd.f32 v18, v17;
	_ =	sdelay $0x1  }
0x12c: {  	[tilespmem:$0x4080] =	vst v17;
	v17 =	vld [tilespmem:$0x4180]  }
0x12d: {  	v18 =	vld [tilespmem:s17+$0x2400];
	_ =	sdelay $0x4  }
0x12e: {  	v17 =	vadd.f32 v18, v17;
	_ =	sdelay $0x1  }
0x12f: {  	[tilespmem:$0x4180] =	vst v17;
	v17 =	vld [tilespmem:$0x4090]  }
0x130: {  	v18 =	vld [tilespmem:s17+$0x410];
	_ =	sdelay $0x4  }
0x131: {  	v17 =	vadd.f32 v18, v17;
	_ =	sdelay $0x1  }
0x132: {  	[tilespmem:$0x4090] =	vst v17;
	v17 =	vld [tilespmem:$0x4190]  }
0x133: {  	v18 =	vld [tilespmem:s17+$0x2410];
	_ =	sdelay $0x4  }
0x134: {  	v17 =	vadd.f32 v18, v17;
	_ =	sdelay $0x1  }
0x135: {  	[tilespmem:$0x4190] =	vst v17;
	v17 =	vld [tilespmem:$0x40A0]  }
0x136: {  	v18 =	vld [tilespmem:s17+$0x420];
	_ =	sdelay $0x4  }
0x137: {  	v17 =	vadd.f32 v18, v17;
	_ =	sdelay $0x1  }
0x138: {  	[tilespmem:$0x40A0] =	vst v17;
	v17 =	vld [tilespmem:$0x41A0]  }
0x139: {  	v18 =	vld [tilespmem:s17+$0x2420];
	_ =	sdelay $0x4  }
0x13a: {  	v17 =	vadd.f32 v18, v17;
	_ =	sdelay $0x1  }
0x13b: {  	[tilespmem:$0x41A0] =	vst v17;
	v17 =	vld [tilespmem:$0x40B0]  }
0x13c: {  	v18 =	vld [tilespmem:s17+$0x430];
	_ =	sdelay $0x4  }
0x13d: {  	v17 =	vadd.f32 v18, v17;
	_ =	sdelay $0x1  }
0x13e: {  	[tilespmem:$0x40B0] =	vst v17;
	v17 =	vld [tilespmem:$0x41B0]  }
0x13f: {  	v18 =	vld [tilespmem:s17+$0x2430];
	_ =	sdelay $0x4  }
0x140: {  	v17 =	vadd.f32 v18, v17;
	_ =	sdelay $0x1  }
0x141: {  	[tilespmem:$0x41B0] =	vst v17;
	v17 =	vld [tilespmem:$0x40C0]  }
0x142: {  	v18 =	vld [tilespmem:s17+$0x440];
	_ =	sdelay $0x4  }
0x143: {  	v17 =	vadd.f32 v18, v17;
	_ =	sdelay $0x1  }
0x144: {  	[tilespmem:$0x40C0] =	vst v17;
	v17 =	vld [tilespmem:$0x41C0]  }
0x145: {  	v18 =	vld [tilespmem:s17+$0x2440];
	_ =	sdelay $0x4  }
0x146: {  	v17 =	vadd.f32 v18, v17;
	_ =	sdelay $0x1  }
0x147: {  	[tilespmem:$0x41C0] =	vst v17;
	v17 =	vld [tilespmem:$0x40D0]  }
0x148: {  	v18 =	vld [tilespmem:s17+$0x450];
	_ =	sdelay $0x4  }
0x149: {  	v17 =	vadd.f32 v18, v17;
	_ =	sdelay $0x1  }
0x14a: {  	[tilespmem:$0x40D0] =	vst v17;
	v17 =	vld [tilespmem:$0x41D0]  }
0x14b: {  	v18 =	vld [tilespmem:s17+$0x2450];
	_ =	sdelay $0x4  }
0x14c: {  	v17 =	vadd.f32 v18, v17;
	_ =	sdelay $0x1  }
0x14d: {  	[tilespmem:$0x41D0] =	vst v17;
	v17 =	vld [tilespmem:$0x40E0]  }
0x14e: {  	v18 =	vld [tilespmem:s17+$0x460];
	_ =	sdelay $0x4  }
0x14f: {  	v17 =	vadd.f32 v18, v17;
	_ =	sdelay $0x1  }
0x150: {  	[tilespmem:$0x40E0] =	vst v17;
	v17 =	vld [tilespmem:$0x41E0]  }
0x151: {  	v18 =	vld [tilespmem:s17+$0x2460];
	_ =	sdelay $0x4  }
0x152: {  	v17 =	vadd.f32 v18, v17;
	_ =	sdelay $0x1  }
0x153: {  	[tilespmem:$0x41E0] =	vst v17;
	v17 =	vld [tilespmem:$0x40F0]  }
0x154: {  	v18 =	vld [tilespmem:s17+$0x470];
	_ =	sdelay $0x4  }
0x155: {  	v17 =	vadd.f32 v18, v17;
	_ =	sdelay $0x1  }
0x156: {  	[tilespmem:$0x40F0] =	vst v17;
	v17 =	vld [tilespmem:$0x41F0]  }
0x157: {  	v18 =	vld [tilespmem:s17+$0x2470];
	_ =	sdelay $0x4  }
0x158: {  	v17 =	vadd.f32 v18, v17;
	_ =	sdelay $0x1  }
0x159: {  	[tilespmem:$0x41F0] =	vst v17  }
0x15a: {  	v17 =	vld.idx.msk [tilespmem:v0+s13+$0x0], $0xffff;
	_ =	sdelay $0x1  }
0x15b: {  	v18 =	vld.idx.msk [tilespmem:v2+s13+$0x0], $0xffff;
	_ =	sdelay $0x1  }
0x15c: {  	v19 =	vld.idx.msk [tilespmem:v3+s13+$0x0], $0xffff  }
0x15d: {  	v17 =	vadd.f32 $0.0e+00, v17  }
0x15e: {  	v20 =	vld.idx.msk [tilespmem:v4+s13+$0x0], $0xffff  }
0x15f: {  	v17 =	vadd.f32 v18, v17  }
0x160: {  	v18 =	vld.idx.msk [tilespmem:v5+s13+$0x0], $0xffff  }
0x161: {  	v21 =	vld.idx.msk [tilespmem:v0+s12+$0x0], $0xffff;
	v17 =	vadd.f32 v19, v17  }
0x162: {  	v19 =	vld.idx.msk [tilespmem:v6+s13+$0x0], $0xffff  }
0x163: {  	v22 =	vld.idx.msk [tilespmem:v2+s12+$0x0], $0xffff;
	v17 =	vadd.f32 v20, v17  }
0x164: {  	v52 =	vld.idx.msk [tilespmem:v7+s13+$0x0], $0xffff  }
0x165: {  	v23 =	vld.idx.msk [tilespmem:v3+s12+$0x0], $0xffff;
	v17 =	vadd.f32 v18, v17  }
0x166: {  	v18 =	vld.idx.msk [tilespmem:v8+s13+$0x0], $0xffff  }
0x167: {  	v24 =	vld.idx.msk [tilespmem:v4+s12+$0x0], $0xffff;
	v21 =	vadd.f32 $0.0e+00, v21;
	v17 =	vadd.f32 v19, v17  }
0x168: {  	v19 =	vld.idx.msk [tilespmem:v9+s13+$0x0], $0xffff  }
0x169: {  	v53 =	vld.idx.msk [tilespmem:v5+s12+$0x0], $0xffff;
	v21 =	vadd.f32 v22, v21;
	v17 =	vadd.f32 v52, v17  }
0x16a: {  	v54 =	vld.idx.msk [tilespmem:v10+s13+$0x0], $0xffff  }
0x16b: {  	v55 =	vld.idx.msk [tilespmem:v6+s12+$0x0], $0xffff;
	v21 =	vadd.f32 v23, v21;
	v17 =	vadd.f32 v18, v17  }
0x16c: {  	v18 =	vld.idx.msk [tilespmem:v11+s13+$0x0], $0xffff  }
0x16d: {  	v56 =	vld.idx.msk [tilespmem:v7+s12+$0x0], $0xffff;
	v21 =	vadd.f32 v24, v21;
	v17 =	vadd.f32 v19, v17  }
0x16e: {  	v19 =	vld.idx.msk [tilespmem:v12+s13+$0x0], $0xffff  }
0x16f: {  	v57 =	vld.idx.msk [tilespmem:v8+s12+$0x0], $0xffff;
	v21 =	vadd.f32 v53, v21;
	v17 =	vadd.f32 v54, v17  }
0x170: {  	v58 =	vld.idx.msk [tilespmem:v13+s13+$0x0], $0xffff  }
0x171: {  	v59 =	vld.idx.msk [tilespmem:v9+s12+$0x0], $0xffff;
	v21 =	vadd.f32 v55, v21;
	v17 =	vadd.f32 v18, v17  }
0x172: {  	v18 =	vld.idx.msk [tilespmem:v14+s13+$0x0], $0xffff  }
0x173: {  	v60 =	vld.idx.msk [tilespmem:v10+s12+$0x0], $0xffff;
	v21 =	vadd.f32 v56, v21;
	v17 =	vadd.f32 v19, v17  }
0x174: {  	v19 =	vld.idx.msk [tilespmem:v15+s13+$0x0], $0xffff  }
0x175: {  	v61 =	vld.idx.msk [tilespmem:v11+s12+$0x0], $0xffff;
	v21 =	vadd.f32 v57, v21;
	v17 =	vadd.f32 v58, v17  }
0x176: {  	v62 =	vld.idx.msk [tilespmem:v16+s13+$0x0], $0xffff  }
0x177: {  	v21 =	vadd.f32 v59, v21;
	v17 =	vadd.f32 v18, v17  }
0x178: {  	v18 =	vld.idx.msk [tilespmem:v12+s12+$0x0], $0xffff  }
0x179: {  	v21 =	vadd.f32 v60, v21;
	v17 =	vadd.f32 v19, v17  }
0x17a: {  	v19 =	vld.idx.msk [tilespmem:v13+s12+$0x0], $0xffff  }
0x17b: {  	v21 =	vadd.f32 v61, v21;
	v17 =	vadd.f32 v62, v17  }
0x17c: {  	v63 =	vld.idx.msk [tilespmem:v14+s12+$0x0], $0xffff  }
0x17d: {  	v18 =	vadd.f32 v18, v21;
	(erf) = vrcp.f32 v17  }
0x17e: {  	v17 =	vld.idx.msk [tilespmem:v15+s12+$0x0], $0xffff  }
0x17f: {  	v18 =	vadd.f32 v19, v18  }
0x180: {  	v19 =	vld.idx.msk [tilespmem:v16+s12+$0x0], $0xffff  }
0x181: {  	v18 =	vadd.f32 v63, v18;
	_ =	sdelay $0x1  }
0x182: {  	v17 =	vadd.f32 v17, v18;
	_ =	sdelay $0x1  }
0x183: {  	v17 =	vadd.f32 v19, v17  }
0x184: {  	v18 =	vpop (erf)  }
0x185: {  	s16 =	sadd.s32 $0x1, s16;
	v17 =	vmul.f32 v18, v17  }
0x186: {  	p0 =	sne.s32 s16, s6  }
.Ltmp1:
0x187: {  	[tilespmem:$0x4200] =	vst v17;
	(pc) =	sbr.rel @p0 .LBB2_1-.Ltmp1, $4  }
0x188: {  	[hbm4b:s5+s2] =	stream.linear.scatter [tilespmem:s14], [sflag:$0x3], $0x10, $0x38;
	[tilespmem:$0x4280] =	vst v63  }
0x189: {  	_ =	swait.ge [sflag:s15], $0x10  }
0x18a: {  	[sflag:s15] =	ssyncset.done $0x0  }
0x18b: {  	[sflag:s15] =	ssyncadd.s32 $0xFFFFFFF0  }
0x18c: {  	_ =	sfence.sel $0x180000  }
0x18d: {  	[bflag:$0x0] =	sbarrier.arrive $0xFFFF  }
0x18e: {  	p0 =	sne.s32 s1, $0x0;
	_ =	strace $0x9000004D  }
0x18f: {  	s0 =	sadd.s32 @!p0 $0x100000, s0;
	[bflag:$0x2] =	sbarrier.arrive $0xFFFF  }
0x190: {  	[sflag:s0] =	ssyncadd.tile.s32 @!p0 $0x1;
	_ =	shalt  }
.Lfunc_end2:
_tile_overlayer_lowered:
.L_overlay_start_2:
0x191: {  	(tag) =	ssettag $0x2  }
0x192: {  	s0 =	rddreg [dreg:$0x0];
	s2 =	stileid.u32  }
0x193: {  	s1 =	rddreg [dreg:$0x1];
	p0 =	sne.s32 s2, $0x0  }
0x194: {  	s3 =	rddreg [dreg:$0x2];
	[bflag:$0x3] =	sbarrier.arrive $0xFFFF;
	s2 =	simm.s32 @!p0 $0x1C03  }
0x195: {  	[timem:s3], [sflag:s2] =	dma.local @!p0 [hbm:s0], s1  }
0x196: {  	s0 =	simm.s32 @!p0 $0x3  }
0x197: {  	_ =	swait.ge @!p0 [sflag:s0], s1  }
0x198: {  	s1 =	ssub.s32 @!p0 $0x0, s1;
	[sflag:s0] =	ssyncset.done @!p0 $0x0  }
0x199: {  	[sflag:s0] =	ssyncadd.s32 @!p0 s1  }
0x19a: {  	[bflag:$0x3] =	sbarrier.arrive $0xFFFF  }
0x19b: {  	_ =	shalt  }

// kernel: kernel.6.cloned.1.call-start
scs
__scs_entry_jumppad:
0x0: {  	(pc) =	sbr.rel $0x88, $3  }
0x1: {  	(tag) =	ssettag $0x0;
	lr =	simm.s32 $0x1  }
0x2: {  	[smem:$0x3F9E] =	sst lr;
	_ =	strace $0xD0000000  }
0x3: {  	_ = 	snop  }
0x4: {  	_ = 	snop  }
0x5: {  	_ = 	snop  }
0x6: {  	_ = 	snop  }
0x7: {  	_ = 	snop  }
__scs_overlays_trampoline_lowered:
0x8: {  	[smem:$0x3FAD] =	sst s0  }
0x9: {  	[smem:$0x3FAE] =	sst s1  }
0xa: {  	[smem:$0x3FAF] =	sst s2  }
0xb: {  	[smem:$0x3FB0] =	sst s3  }
0xc: {  	[smem:$0x3FB1] =	sst s4  }
0xd: {  	[smem:$0x3FB2] =	sst s5  }
0xe: {  	[smem:$0x3FB3] =	sst s6  }
0xf: {  	[smem:$0x3FB4] =	sst s7  }
0x10: {  	[smem:$0x3FB5] =	sst s8  }
0x11: {  	[smem:$0x3FB6] =	sst s9;
	s0 =	simm.s32 @!p0 $0x0  }
0x12: {  	s1 =	sld [smem:$0x3F9C];
	s0 =	simm.s32 @p0 $0x1  }
0x13: {  	[smem:$0x3FB7] =	sst s0;
	s0 =	simm.s32 @!p1 $0x0  }
0x14: {  	s2 =	sld [smem:$0x3F9B];
	s0 =	simm.s32 @p1 $0x1  }
0x15: {  	[smem:$0x3FB8] =	sst s0;
	s0 =	simm.s32 @!p2 $0x0  }
0x16: {  	s3 =	sld [smem:$0x3FDB];
	s0 =	simm.s32 @p2 $0x1  }
0x17: {  	s4 =	simm.s32 $0x1BF5;
	[smem:$0x3FBA] =	sst s0  }
0x18: {  	s0 =	sld [smem:$0x3F9D];
	_ =	swait.ge [sflag:s4], $0x0  }
0x19: {  	s7 =	sld [smem:$0x3F9E]  }
0x1a: {  	s8 =	sadd.s32 $0xFFFFE003, lr  }
0x1b: {  	s9 =	sadd.s32 $0xFFFFFEF7, lr;
	s5 =	simm.s32 $0xFFFFFFFF;
	p2 =	slt.u32 s8, $0xFFFFF086  }
0x1c: {  	p1 =	slt.u32 s9, $0xF7A;
	s5 =	simm.s32 @!p2 $0x0  }
0x1d: {  	s5 =	simm.s32 @p1 $0x1;
	p0 =	seq.s32 s7, s2  }
0x1e: {  	s7 =	smul.u32 @!p0 $0xF7A, s2;
	p2 =	seq.s32 @!p0 s5, $0x0  }
0x1f: {  	s9 =	smul.u32 $0xF7A, s1;
	s8 =	simm.s32 @!p0 $0x1BF5;
	p2 =	por !p2, p0  }
0x20: {  	[sflag:s8] =	ssyncset.s32 @!p0 $0xFFFFF086;
	s6 =	sadd.s32 @!p0 s3, s7;
	s7 =	simm.s32 @!p0 $0x108  }
0x21: {  	s3 =	sadd.s32 s3, s9;
	s6 =	sadd.s32 @!p0 $0x88, s6;
	s7 =	simm.s32 @p2 $0x1082  }
0x22: {  	[simem:s7], [sflag:s8] =	dma.local @!p0 [hbm:s6], $0xF7A  }
0x23: {  	s9 =	sor.u32 $0xD0000000, s2;
	s6 =	simm.s32 $0x108;
	_ =	swait.ge @!p0 [sflag:s8], $0x0  }
0x24: {  	s3 =	sadd.s32 $0x88, s3;
	s6 =	simm.s32 @!p1 $0x1082;
	[sflag:s4] =	ssyncset.s32 $0xFFFFF086  }
0x25: {  	[simem:s6], [sflag:s4] =	dma.local [hbm:s3], $0xF7A  }
0x26: {  	[smem:$0x3F9E] =	sst s1;
	(tag) =	ssettag s2;
	_ =	strace s9  }
0x27: {  	s1 =	sld [smem:$0x3FAE]  }
0x28: {  	s2 =	sld [smem:$0x3FAF]  }
0x29: {  	s4 =	sld [smem:$0x3FB1]  }
0x2a: {  	p0 =	seq.s32 s5, $0x0;
	s5 =	sld [smem:$0x3FB2]  }
0x2b: {  	s6 =	sld [smem:$0x3FB3]  }
0x2c: {  	s7 =	sld [smem:$0x3FB4]  }
0x2d: {  	s3 =	simm.s32 $0x108;
	s8 =	sld [smem:$0x3FB5]  }
0x2e: {  	s3 =	simm.s32 @!p0 $0x1082;
	s9 =	sld [smem:$0x3FB6]  }
0x2f: {  	lr =	sadd.s32 s0, s3;
	s0 =	sld [smem:$0x3FAD]  }
0x30: {  	s3 =	sld [smem:$0x3FB0]  }
0x31: {  	[smem:$0x3FB9] =	sst s10  }
0x32: {  	s10 =	sld [smem:$0x3FB7];
	_ =	sdelay $0x3  }
0x33: {  	p0 =	seq.s32 s10, $0x1;
	s10 =	sld [smem:$0x3FB9];
	_ =	sdelay $0x3  }
0x34: {  	[smem:$0x3FB9] =	sst s10  }
0x35: {  	s10 =	sld [smem:$0x3FB8];
	_ =	sdelay $0x3  }
0x36: {  	p1 =	seq.s32 s10, $0x1;
	s10 =	sld [smem:$0x3FB9];
	_ =	sdelay $0x3  }
0x37: {  	[smem:$0x3FB9] =	sst s10  }
0x38: {  	s10 =	sld [smem:$0x3FBA]  }
0x39: {  	_ = 	snop;
	(pc) =	sbr.ind lr, $3  }
0x3a: {  	_ = 	snop  }
0x3b: {  	_ = 	snop  }
0x3c: {  	p2 =	seq.s32 s10, $0x1;
	s10 =	sld [smem:$0x3FB9]  }
0x3d: {  	_ =	shalt  }
0x3e: {  	_ =	shalt  }
0x3f: {  	_ =	shalt  }
0x40: {  	_ =	shalt  }
0x41: {  	_ =	shalt  }
0x42: {  	_ =	shalt  }
0x43: {  	_ =	shalt  }
0x44: {  	_ =	shalt  }
0x45: {  	_ =	shalt  }
0x46: {  	_ =	shalt  }
0x47: {  	_ =	shalt  }
0x48: {  	_ =	shalt  }
0x49: {  	_ =	shalt  }
0x4a: {  	_ =	shalt  }
0x4b: {  	_ =	shalt  }
0x4c: {  	_ =	shalt  }
0x4d: {  	_ =	shalt  }
0x4e: {  	_ =	shalt  }
0x4f: {  	_ =	shalt  }
0x50: {  	_ =	shalt  }
0x51: {  	_ =	shalt  }
0x52: {  	_ =	shalt  }
0x53: {  	_ =	shalt  }
0x54: {  	_ =	shalt  }
0x55: {  	_ =	shalt  }
0x56: {  	_ =	shalt  }
0x57: {  	_ =	shalt  }
0x58: {  	_ =	shalt  }
0x59: {  	_ =	shalt  }
0x5a: {  	_ =	shalt  }
0x5b: {  	_ =	shalt  }
0x5c: {  	_ =	shalt  }
0x5d: {  	_ =	shalt  }
0x5e: {  	_ =	shalt  }
0x5f: {  	_ =	shalt  }
0x60: {  	_ =	shalt  }
0x61: {  	_ =	shalt  }
0x62: {  	_ =	shalt  }
0x63: {  	_ =	shalt  }
0x64: {  	_ =	shalt  }
0x65: {  	_ =	shalt  }
0x66: {  	_ =	shalt  }
0x67: {  	_ =	shalt  }
0x68: {  	_ =	shalt  }
0x69: {  	_ =	shalt  }
0x6a: {  	_ =	shalt  }
0x6b: {  	_ =	shalt  }
0x6c: {  	_ =	shalt  }
0x6d: {  	_ =	shalt  }
0x6e: {  	_ =	shalt  }
0x6f: {  	_ =	shalt  }
0x70: {  	_ =	shalt  }
0x71: {  	_ =	shalt  }
0x72: {  	_ =	shalt  }
0x73: {  	_ =	shalt  }
0x74: {  	_ =	shalt  }
0x75: {  	_ =	shalt  }
0x76: {  	_ =	shalt  }
0x77: {  	_ =	shalt  }
0x78: {  	_ =	shalt  }
0x79: {  	_ =	shalt  }
0x7a: {  	_ =	shalt  }
0x7b: {  	_ =	shalt  }
0x7c: {  	_ =	shalt  }
0x7d: {  	_ =	shalt  }
0x7e: {  	_ =	shalt  }
0x7f: {  	_ =	shalt  }
0x80: {  	_ =	shalt  }
0x81: {  	_ =	shalt  }
0x82: {  	_ =	shalt  }
0x83: {  	_ =	shalt  }
0x84: {  	_ =	shalt  }
0x85: {  	_ =	shalt  }
0x86: {  	_ =	shalt  }
0x87: {  	_ =	shalt  }
.Lfunc_end0:
.L_simem_size_0:
called_computation_lowered:
.L_overlay_start_0:
0x88: {  	s2 =	sld [smem:$0x3FD9]  }
0x89: {  	s3 =	sld [smem:$0x3FFE];
	_ =	sdelay $0x1  }
0x8a: {  	s1 =	srdreg.scid  }
0x8b: {  	s0 =	sand.u32 $0x1, s1  }
0x8c: {  	s17 =	sshll.u32 s0, $0xA;
	s2 =	sadd.s32 s3, s2  }
0x8d: {  	s2 =	sadd.s32 s2, s17  }
0x8e: {  	[smem:$0x3FC5] =	sst s2  }
0x8f: {  	_ = 	snop  }
0x90: {  	s2 =	sld [smem:$0x3FC9]  }
0x91: {  	s18 =	sld [smem:$0x3FC8]  }
0x92: {  	s4 =	sld [smem:$0x3FC7];
	(tm) =	ssettm $0x1  }
0x93: {  	s5 =	sld [smem:$0x3FFB];
	_ =	sdelay $0x3  }
0x94: {  	_ =	strace s5  }
0x95: {  	s5 =	sld [smem:$0x3FFC];
	_ =	sdelay $0x3  }
0x96: {  	_ =	strace s5  }
0x97: {  	s5 =	sld [smem:$0x3FFD];
	_ =	sdelay $0x3  }
0x98: {  	_ =	strace s5  }
0x99: {  	_ =	strace $0x8FFFFFFF  }
0x9a: {  	s19 =	sld [smem:$0x3FDB];
	_ =	sdelay $0x1  }
0x9b: {  	s6 =	simm.s32 $_scs_section_size  }
0x9c: {  	s7 =	simm.s32 $_size__tile_overlayer_lowered;
	s8 =	simm.s32 $_tile_overlayer_lowered  }
0x9d: {  	s22 =	simm.s32 $0x1BFF;
	s21 =	sshll.u32 s8, $0x1;
	s5 =	sadd.s32 s6, s19  }
0x9e: {  	s9 =	simm.s32 $0x0;
	s20 =	sshll.u32 s7, $0x1;
	s7 =	sadd.s32 s21, s5  }
0x9f: {  	[timem:s9], [sflag:s22] =	dma.local [hbm:s7], s20  }
0xa0: {  	_ =	swait.ge [sflag:s22], s20  }
0xa1: {  	s6 =	ssub.s32 $0x0, s20;
	[sflag:s22] =	ssyncset.done $0x0  }
0xa2: {  	[sflag:s22] =	ssyncadd.s32 s6;
	_ =	sdelay $0x1  }
0xa3: {  	s23 =	simm.s32 $0x1B8B  }
0xa4: {  	_ =	swait.ge [sflag:s23], $0x1  }
0xa5: {  	[sflag:s23] =	ssyncset.done $0x0  }
0xa6: {  	s25 =	simm.s32 $0x1B8E;
	s24 =	sld [smem:$0x3FFE];
	[sflag:s23] =	ssyncadd.s32 $0xFFFFFFFF  }
0xa7: {  	s26 =	simm.s32 $execute0_lowered;
	[smem:$0x3FD2] =	sst s25  }
0xa8: {  	s7 =	sshll.u32 s26, $0x1;
	_ =	strace $0x80000046;
	[dreg:$0x1] =	wrdreg $0xFFFFFFFF  }
0xa9: {  	s28 =	simm.s32 $_size_execute0_lowered;
	s5 =	sadd.s32 s5, s7;
	[dreg:$0x0] =	wrdreg $0x0  }
0xaa: {  	s7 =	sshll.u32 s28, $0x1;
	[dreg:$0x2] =	wrdreg s5  }
0xab: {  	[dreg:$0x3] =	wrdreg s7  }
0xac: {  	[dreg:$0x4] =	wrdreg $0xC0  }
0xad: {  	_ =	task [dreg:s9], $0x5FFFF  }
0xae: {  	[dreg:$0x1] =	wrdreg $0xFFFFFFFF  }
0xaf: {  	[dreg:$0x0] =	wrdreg $0x60  }
0xb0: {  	[dreg:$0x2] =	wrdreg s4  }
0xb1: {  	[dreg:$0x3] =	wrdreg s2  }
0xb2: {  	[dreg:$0x4] =	wrdreg s18  }
0xb3: {  	[dreg:$0x5] =	wrdreg s24  }
0xb4: {  	[dreg:$0x6] =	wrdreg $0x9  }
0xb5: {  	_ =	task.clear_ibuf [dreg:s9], $0x7FFFF;
	_ =	strace $0x90000046  }
0xb6: {  	s29 =	simm.s32 $0x9;
	_ =	strace $0x80000048  }
0xb7: {  	_ =	swait.ge [sflag:s29], $0x1  }
0xb8: {  	[sflag:s29] =	ssyncadd.s32 $0xFFFFFFFF  }
0xb9: {  	_ =	strace $0x90000048  }
0xba: {  	_ =	sfence  }
0xbb: {  	s30 =	sld [smem:$0x0];
	_ =	sdelay $0x2  }
0xbc: {  	s31 =	sshll.u32 s1, $0xD;
	s1 =	sshrl.u32 s1, $0x2  }
0xbd: {  	s3 =	sand.u32 $0x4000, s31;
	s1 =	sadd.s32 s1, s30  }
0xbe: {  	s0 =	sor.u32 s3, s0;
	s1 =	sshll.u32 s1, $0x11  }
0xbf: {  	s0 =	sor.u32 s1, s0  }
0xc0: {  	s0 =	sadd.s32 $0x8F2B, s0  }
0xc1: {  	[sflag:s0] =	ssyncadd.remote.s32 $0x1  }
0xc2: {  	_ =	sfence.sel $0xFFFF  }
0xc3: {  	[dreg:$0x0] =	wrdreg $0xFFFFFFFF;
	(pc) =	sbr.abs _section_cstart, $3  }
0xc4: {  	[dreg:$0x1] =	wrdreg $0xFFFFFFFF  }
0xc5: {  	_ =	task.clear_ibuf [dreg:s9], $0x2FFFF;
	_ =	strace $0x9FFFFFFF  }
0xc6: {  	(tm) =	ssettm $0x7FFFFFFF  }
0xc7: {  	_ =	shalt  }
tec
execute0_lowered:
.L_overlay_start_1:
0x0: {  	(tag) =	ssettag $0x1  }
0x1: {  	s0 =	rddreg [dreg:$0x0]  }
0x2: {  	s1 =	rddreg [dreg:$0x1]  }
0x3: {  	s3 =	rddreg [dreg:$0x2]  }
0x4: {  	s2 =	rddreg [dreg:$0x3]  }
0x5: {  	s5 =	srdreg.scid;
	s7 =	stileid.u32  }
0x6: {  	s4 =	simm.s32 $0x0;
	s15 =	simm.s32 $0xBC00;
	s16 =	simm.s32 $0x3  }
0x7: {  	s17 =	simm.s32 $0x2780;
	s18 =	simm.s32 $0x5880;
	s19 =	simm.s32 $0x1  }
0x8: {  	s20 =	simm.s32 $0xFF80;
	s21 =	simm.s32 $0x14300;
	s22 =	simm.s32 $0x3880  }
0x9: {  	s23 =	simm.s32 $0x2;
	s24 =	simm.s32 $0x80;
	s25 =	simm.s32 $0x400  }
0xa: {  	s26 =	simm.s32 $0x0;
	s5 =	sand.u32 $0x1, s5;
	s6 =	sshll.u32 s7, $0x1  }
0xb: {  	[smem:$0x7FF] =	sst s4;
	s7 =	sshll.u32 s7, $0xB;
	s6 =	sor.u32 s5, s6  }
0xc: {  	s30 =	ssub.s32 $0x2, s5;
	s8 =	sshll.u32 s6, $0x4;
	s10 =	smul.u32 $0x10E0, s6  }
0xd: {  	s9 =	sshrl.u32 s30, $0x1;
	s12 =	smul.u32 $0x4E2, s6;
	s7 =	sor.u32 s7, s8  }
0xe: {  	_ =	strace $0x80000047;
	s13 =	ssub.s32 s30, s9;
	s7 =	sand.u32 $0x6070, s7  }
0xf: {  	s5 =	sadd.s32 $0x2C600, s10;
	s8 =	sadd.s32 s0, s12;
	s10 =	sadd.s32 $0x2C70E, s10  }
0x10: {  	s13 =	smax.u32 s13, $0x1;
	s11 =	sshll.u32 s5, $0x4;
	s2 =	sadd.s32 s7, s2  }
0x11: {  	s31 =	sshrl.u32 s5, $0x3;
	s6 =	sadd.s32 s1, s11;
	s7 =	sadd.s32 s3, s11  }
0x12: {  	v0 =	vimm.f32 $0.0e+00;
	v1 =	vlaneseq.u32;
	v2 =	vimm.f32 $1.000000000e+00;
	s9 =	sadd.s32 s0, s31;
	s11 =	sadd.s32 $0x1200, s2;
	s12 =	sadd.s32 $0x9200, s2  }
.LBB2_1:
0x13: {  	s0 =	simm.s32 $0x7880  }
0x14: {  	[tilespmem:s0], [sflag:$0x1] =	stream.linear.gather [hbm4b:s6+s4], $0x4380, $0x38;
	[tilespmem:$0x18680] =	vst v63  }
0x15: {  	_ = 	snop  }
0x16: {  	[tilespmem:s15], [sflag:$0x1] =	stream.linear.gather [hbm4b:s7+s4], $0x4380, $0x38;
	[tilespmem:$0x18680] =	vst v63  }
0x17: {  	_ = 	snop  }
0x18: {  	[tilespmem:s4], [sflag:$0x3] =	stream.linear.gather [hbm4b:s8+s4], $0x2710, $0x38;
	[tilespmem:$0x18680] =	vst v63  }
0x19: {  	_ =	swait.ge [sflag:s16], $0x2710  }
0x1a: {  	[sflag:s16] =	ssyncset.done $0x0  }
0x1b: {  	[sflag:s16] =	ssyncadd.s32 $0xFFFFD8F0  }
0x1c: {  	[tilespmem:s17], [sflag:$0x3] =	stream.linear.gather [hbm4b:s9+s4], $0x10E0, $0x38;
	[tilespmem:$0x18680] =	vst v63  }
0x1d: {  	_ =	swait.ge [sflag:s16], $0x10E0  }
0x1e: {  	[sflag:s16] =	ssyncset.done $0x0  }
0x1f: {  	s2 =	simm.s32 $0x0;
	s0 =	simm.s32 $0x40;
	[sflag:s16] =	ssyncadd.s32 $0xFFFFEF20  }
.LBB2_2:
0x20: {  	p0 =	sne.s32 s0, $0x7FC0;
	[tilespmem:s2+$0x3880] =	vst v0;
	s14 =	smov.u32 s0;
	s0 =	sadd.s32 $0x40, s0  }
.Ltmp0:
0x21: {  	[tilespmem:s2+$0x5880] =	vst v0;
	(pc) =	sbr.rel @p0 .LBB2_2-.Ltmp0, $2  }
0x22: {  	_ =	sdelay $0x2  }
0x23: {  	s2 =	sshra.s32 s14, $0x2  }
0x24: {  	[tilespmem:s2+$0x3880] =	vst v0  }
0x25: {  	s0 =	simm.s32 $0x0;
	[tilespmem:s2+$0x5880] =	vst v0;
	s2 =	simm.s32 $0x0  }
.LBB2_4:
0x26: {  	s14 =	sshra.s32 s2, $0x2  }
0x27: {  	v3 =	vld [tilespmem:s14+$0x0];
	_ =	sdelay $0x4  }
0x28: {  	v3 =	vshll.u32 v3, $0x4  }
0x29: {  	p0 =	sne.s32 s2, $0x9C00;
	v3 =	vor.u32 v1, v3  }
.Ltmp1:
0x2a: {  	_ = 	snop;
	(pc) =	sbr.rel @p0 .LBB2_4-.Ltmp1, $2  }
0x2b: {  	_ =	sdelay $0x2  }
0x2c: {  	s2 =	sadd.s32 $0x40, s2;
	[tilespmem:v3+s18+$0x0] =	vst.idx.add.f32.msk $0xffff, v2  }
0x2d: {  	s29 =	simm.s32 $0x87;
	s30 =	simm.s32 $0x0  }
.LBB2_6:
0x2e: {  	s31 =	smul.u32 $0x10E, s30  }
0x2f: {  	_ =	swait.ge [sflag:s19], $0x4380  }
0x30: {  	[sflag:s19] =	ssyncset.done $0x0;
	s2 =	sadd.s32 s5, s31  }
0x31: {  	[sflag:s19] =	ssyncadd.s32 $0xFFFFBC80;
	s2 =	sshll.u32 s2, $0x4  }
0x32: {  	_ =	swait.ge [sflag:s19], $0x4380;
	s2 =	sadd.s32 $0x870, s2  }
0x33: {  	[sflag:s19] =	ssyncset.done $0x0;
	s2 =	sand.u32 $0x1FFFFFF0, s2  }
0x34: {  	s28 =	simm.s32 $0x0;
	[sflag:s19] =	ssyncadd.s32 $0xFFFFBC80;
	s14 =	sadd.s32 s1, s2  }
0x35: {  	[tilespmem:s20], [sflag:$0x2] =	stream.linear.gather [hbm4b:s14+s28], $0x4380, $0x38;
	[tilespmem:$0x18680] =	vst v63  }
0x36: {  	s2 =	sadd.s32 s3, s2;
	s14 =	simm.s32 $0x0  }
0x37: {  	[tilespmem:s21], [sflag:$0x2] =	stream.linear.gather [hbm4b:s2+s28], $0x4380, $0x38;
	[tilespmem:$0x18680] =	vst v63  }
0x38: {  	v3 =	vld [tilespmem:s14+$0x7880]  }
0x39: {  	v4 =	vld [tilespmem:s14+$0xBC00]  }
0x3a: {  	v5 =	vld [tilespmem:s14+$0x7890]  }
0x3b: {  	v6 =	vld [tilespmem:s14+$0xBC10]  }
0x3c: {  	v7 =	vld [tilespmem:s14+$0x78A0]  }
0x3d: {  	v8 =	vld [tilespmem:s14+$0xBC20]  }
0x3e: {  	v9 =	vld [tilespmem:s14+$0x78B0]  }
0x3f: {  	v10 =	vld [tilespmem:s14+$0xBC30]  }
0x40: {  	v3 =	vsub.f32 v3, v4;
	v4 =	vsub.f32 v5, v6;
	v5 =	vld [tilespmem:s14+$0x78C0]  }
0x41: {  	v6 =	vld [tilespmem:s14+$0xBC40]  }
0x42: {  	v60 =	vld [tilespmem:s14+$0x78D0];
	v7 =	vsub.f32 v7, v8;
	v3 =	vmul.f32 v3, v3;
	v4 =	vmul.f32 v4, v4  }
0x43: {  	v11 =	vmov s0;
	v12 =	vld [tilespmem:s14+$0xBC50]  }
0x44: {  	v61 =	vld [tilespmem:s14+$0x78E0];
	v3 =	vadd.f32 v4, v3;
	v4 =	vmul.f32 v7, v7;
	v7 =	vsub.f32 v9, v10  }
0x45: {  	v62 =	vld [tilespmem:s14+$0xBC60]  }
0x46: {  	v5 =	vsub.f32 v5, v6;
	v6 =	vld [tilespmem:s14+$0x78F0];
	v3 =	vadd.f32 v4, v3;
	v4 =	vmul.f32 v7, v7  }
0x47: {  	v7 =	vld [tilespmem:s14+$0xBC70]  }
0x48: {  	v3 =	vadd.f32 v4, v3;
	v4 =	vmul.f32 v5, v5;
	v5 =	vsub.f32 v60, v12  }
0x49: {  	v63 =	vld.idx.msk [tilespmem:v11+s17+$0x0], $0xffff  }
0x4a: {  	v3 =	vadd.f32 v4, v3;
	v4 =	vmul.f32 v5, v5;
	v5 =	vsub.f32 v61, v62;
	_ =	sdelay $0x1  }
0x4b: {  	v3 =	vadd.f32 v4, v3;
	v4 =	vmul.f32 v5, v5;
	v5 =	vsub.f32 v6, v7;
	_ =	sdelay $0x1  }
0x4c: {  	v3 =	vadd.f32 v4, v3;
	v4 =	vmul.f32 v5, v5;
	v5 =	vshll.u32 v63, $0x4  }
0x4d: {  	v5 =	vor.u32 v1, v5  }
0x4e: {  	v3 =	vadd.f32 v4, v3;
	_ =	sdelay $0x1  }
0x4f: {  	v3 =	vmul.f32 $7.812500000e-03, v3;
	_ =	sdelay $0x1  }
0x50: {  	s2 =	simm.s32 $0x80;
	[tilespmem:v5+s22+$0x0] =	vst.idx.add.f32.msk $0xffff, v3  }
0x51: {  	v3 =	vld [tilespmem:s2+$0x7880]  }
0x52: {  	v4 =	vld [tilespmem:s2+$0xBC00]  }
0x53: {  	s28 =	smov.u32 s0;
	s14 =	simm.s32 $0x400;
	v5 =	vld [tilespmem:s2+$0x7890]  }
.LBB2_7:
0x54: {  	p0 =	sne.s32 s14, $0x10C00;
	v6 =	vld [tilespmem:s2+$0xBC10]  }
0x55: {  	v7 =	vld [tilespmem:s2+$0x78A0]  }
0x56: {  	v8 =	vld [tilespmem:s2+$0xBC20]  }
0x57: {  	v9 =	vld [tilespmem:s2+$0x78B0]  }
0x58: {  	v10 =	vld [tilespmem:s2+$0xBC30]  }
0x59: {  	v3 =	vsub.f32 v3, v4;
	v4 =	vsub.f32 v5, v6;
	v5 =	vld [tilespmem:s2+$0x78C0]  }
0x5a: {  	v6 =	vld [tilespmem:s2+$0xBC40]  }
0x5b: {  	s28 =	sadd.s32 $0x1, s28;
	v3 =	vmul.f32 v3, v3;
	v4 =	vmul.f32 v4, v4;
	v7 =	vsub.f32 v7, v8;
	v8 =	vld [tilespmem:s2+$0x78D0]  }
0x5c: {  	v11 =	vmov s28;
	v12 =	vld [tilespmem:s2+$0xBC50]  }
0x5d: {  	v3 =	vadd.f32 v4, v3;
	v4 =	vmul.f32 v7, v7;
	v7 =	vsub.f32 v9, v10;
	v9 =	vld [tilespmem:s2+$0x78E0]  }
0x5e: {  	v10 =	vld [tilespmem:s2+$0xBC60]  }
0x5f: {  	v3 =	vadd.f32 v4, v3;
	v4 =	vmul.f32 v7, v7;
	v5 =	vsub.f32 v5, v6;
	v6 =	vld [tilespmem:s2+$0x78F0]  }
0x60: {  	v7 =	vld [tilespmem:s2+$0xBC70]  }
0x61: {  	v11 =	vld.idx.msk [tilespmem:v11+s17+$0x0], $0xffff;
	v3 =	vadd.f32 v4, v3;
	v4 =	vmul.f32 v5, v5;
	v5 =	vsub.f32 v8, v12;
	_ =	sdelay $0x1  }
0x62: {  	v3 =	vadd.f32 v4, v3;
	v4 =	vmul.f32 v5, v5;
	v5 =	vsub.f32 v9, v10;
	_ =	sdelay $0x1  }
0x63: {  	v3 =	vadd.f32 v4, v3;
	v4 =	vmul.f32 v5, v5;
	v5 =	vsub.f32 v6, v7;
	_ =	sdelay $0x1  }
0x64: {  	v3 =	vadd.f32 v4, v3;
	v4 =	vmul.f32 v5, v5;
	v5 =	vshll.u32 v11, $0x4  }
0x65: {  	v5 =	vor.u32 v1, v5  }
0x66: {  	v3 =	vadd.f32 v4, v3;
	_ =	sdelay $0x1  }
0x67: {  	v3 =	vmul.f32 $7.812500000e-03, v3  }
.Ltmp2:
0x68: {  	(pc) =	sbr.rel @p0 .LBB2_7-.Ltmp2, $4  }
0x69: {  	s2 =	sshra.s32 s14, $0x2;
	[tilespmem:v5+s22+$0x0] =	vst.idx.add.f32.msk $0xffff, v3  }
0x6a: {  	v3 =	vld [tilespmem:s2+$0x7880]  }
0x6b: {  	v4 =	vld [tilespmem:s2+$0xBC00]  }
0x6c: {  	s14 =	sadd.s32 $0x200, s14;
	v5 =	vld [tilespmem:s2+$0x7890]  }
0x6d: {  	v6 =	vld [tilespmem:s2+$0xBC10]  }
0x6e: {  	v7 =	vld [tilespmem:s2+$0x78A0]  }
0x6f: {  	v8 =	vld [tilespmem:s2+$0xBC20]  }
0x70: {  	v9 =	vld [tilespmem:s2+$0x78B0]  }
0x71: {  	v10 =	vld [tilespmem:s2+$0xBC30]  }
0x72: {  	v3 =	vsub.f32 v3, v4;
	v4 =	vsub.f32 v5, v6;
	v5 =	vld [tilespmem:s2+$0x78C0]  }
0x73: {  	v6 =	vld [tilespmem:s2+$0xBC40]  }
0x74: {  	v51 =	vld [tilespmem:s2+$0x78D0];
	s14 =	sadd.s32 $0x1, s28;
	v3 =	vmul.f32 v3, v3;
	v7 =	vsub.f32 v7, v8;
	v4 =	vmul.f32 v4, v4  }
0x75: {  	v12 =	vld [tilespmem:s2+$0xBC50];
	v11 =	vmov s14  }
0x76: {  	v52 =	vld [tilespmem:s2+$0x78E0];
	v3 =	vadd.f32 v4, v3;
	v4 =	vmul.f32 v7, v7;
	v7 =	vsub.f32 v9, v10  }
0x77: {  	v53 =	vld [tilespmem:s2+$0xBC60]  }
0x78: {  	v5 =	vsub.f32 v5, v6;
	v6 =	vld [tilespmem:s2+$0x78F0];
	v3 =	vadd.f32 v4, v3;
	v4 =	vmul.f32 v7, v7  }
0x79: {  	v7 =	vld [tilespmem:s2+$0xBC70]  }
0x7a: {  	v3 =	vadd.f32 v4, v3;
	v4 =	vmul.f32 v5, v5;
	v5 =	vsub.f32 v51, v12  }
0x7b: {  	v54 =	vld.idx.msk [tilespmem:v11+s17+$0x0], $0xffff  }
0x7c: {  	v3 =	vadd.f32 v4, v3;
	v4 =	vmul.f32 v5, v5;
	v5 =	vsub.f32 v52, v53;
	_ =	sdelay $0x1  }
0x7d: {  	v3 =	vadd.f32 v4, v3;
	v4 =	vmul.f32 v5, v5;
	v5 =	vsub.f32 v6, v7;
	_ =	sdelay $0x1  }
0x7e: {  	v3 =	vadd.f32 v4, v3;
	v4 =	vmul.f32 v5, v5;
	v5 =	vshll.u32 v54, $0x4  }
0x7f: {  	v5 =	vor.u32 v1, v5  }
0x80: {  	v3 =	vadd.f32 v4, v3;
	_ =	sdelay $0x1  }
0x81: {  	v3 =	vmul.f32 $7.812500000e-03, v3;
	_ =	sdelay $0x1  }
0x82: {  	[tilespmem:v5+s22+$0x0] =	vst.idx.add.f32.msk $0xffff, v3  }
0x83: {  	_ =	swait.ge [sflag:s23], $0x4380  }
0x84: {  	p0 =	seq.s32 s30, $0xF;
	[sflag:s23] =	ssyncset.done $0x0  }
0x85: {  	s2 =	sadd.s32 @!p0 s31, s10;
	[sflag:s23] =	ssyncadd.s32 $0xFFFFBC80  }
0x86: {  	s2 =	sshll.u32 @!p0 s2, $0x4;
	_ =	swait.ge [sflag:s23], $0x4380  }
0x87: {  	s28 =	simm.s32 @!p0 $0x0;
	s2 =	sand.u32 @!p0 $0x1FFFFFE0, s2;
	[sflag:s23] =	ssyncset.done $0x0  }
0x88: {  	s31 =	simm.s32 @!p0 $0x7880;
	s14 =	sadd.s32 @!p0 s1, s2;
	[sflag:s23] =	ssyncadd.s32 $0xFFFFBC80  }
0x89: {  	[tilespmem:s31], [sflag:$0x1] =	stream.linear.gather @!p0 [hbm4b:s14+s28], $0x4380, $0x38;
	[tilespmem:$0x18680] =	vst v63  }
0x8a: {  	s2 =	sadd.s32 @!p0 s3, s2;
	s14 =	simm.s32 @!p0 $0xBC00;
	s31 =	simm.s32 $0x0  }
0x8b: {  	[tilespmem:s14], [sflag:$0x1] =	stream.linear.gather @!p0 [hbm4b:s2+s28], $0x4380, $0x38;
	[tilespmem:$0x18680] =	vst v63  }
0x8c: {  	v3 =	vld [tilespmem:s31+$0xFF80]  }
0x8d: {  	v4 =	vld [tilespmem:s31+$0x14300]  }
0x8e: {  	v5 =	vld [tilespmem:s31+$0xFF90]  }
0x8f: {  	v6 =	vld [tilespmem:s31+$0x14310]  }
0x90: {  	v7 =	vld [tilespmem:s31+$0xFFA0]  }
0x91: {  	v55 =	vld [tilespmem:s31+$0x14320]  }
0x92: {  	v56 =	vld [tilespmem:s31+$0xFFB0]  }
0x93: {  	v57 =	vld [tilespmem:s31+$0x14330]  }
0x94: {  	v3 =	vsub.f32 v3, v4;
	v4 =	vsub.f32 v5, v6;
	v5 =	vld [tilespmem:s31+$0xFFC0]  }
0x95: {  	v6 =	vld [tilespmem:s31+$0x14340]  }
0x96: {  	v58 =	vld [tilespmem:s31+$0xFFD0];
	v7 =	vsub.f32 v7, v55;
	v3 =	vmul.f32 v3, v3;
	v4 =	vmul.f32 v4, v4  }
0x97: {  	v59 =	vmov s29;
	v60 =	vld [tilespmem:s31+$0x14350]  }
0x98: {  	v61 =	vld [tilespmem:s31+$0xFFE0];
	v3 =	vadd.f32 v4, v3;
	v4 =	vmul.f32 v7, v7;
	v7 =	vsub.f32 v56, v57  }
0x99: {  	v62 =	vld [tilespmem:s31+$0x14360]  }
0x9a: {  	v5 =	vsub.f32 v5, v6;
	v6 =	vld [tilespmem:s31+$0xFFF0];
	v3 =	vadd.f32 v4, v3;
	v4 =	vmul.f32 v7, v7  }
0x9b: {  	v7 =	vld [tilespmem:s31+$0x14370]  }
0x9c: {  	v3 =	vadd.f32 v4, v3;
	v4 =	vmul.f32 v5, v5;
	v5 =	vsub.f32 v58, v60  }
0x9d: {  	v63 =	vld.idx.msk [tilespmem:v59+s17+$0x0], $0xffff  }
0x9e: {  	v3 =	vadd.f32 v4, v3;
	v4 =	vmul.f32 v5, v5;
	v5 =	vsub.f32 v61, v62;
	_ =	sdelay $0x1  }
0x9f: {  	v3 =	vadd.f32 v4, v3;
	v4 =	vmul.f32 v5, v5;
	v5 =	vsub.f32 v6, v7;
	_ =	sdelay $0x1  }
0xa0: {  	v3 =	vadd.f32 v4, v3;
	v4 =	vmul.f32 v5, v5;
	v5 =	vshll.u32 v63, $0x4  }
0xa1: {  	v5 =	vor.u32 v1, v5  }
0xa2: {  	v3 =	vadd.f32 v4, v3;
	_ =	sdelay $0x1  }
0xa3: {  	v3 =	vmul.f32 $7.812500000e-03, v3;
	_ =	sdelay $0x1  }
0xa4: {  	s2 =	simm.s32 $0x80;
	[tilespmem:v5+s22+$0x0] =	vst.idx.add.f32.msk $0xffff, v3  }
0xa5: {  	v3 =	vld [tilespmem:s2+$0xFF80]  }
0xa6: {  	v4 =	vld [tilespmem:s2+$0x14300]  }
0xa7: {  	s14 =	simm.s32 $0x400;
	s28 =	smov.u32 s29;
	v5 =	vld [tilespmem:s2+$0xFF90]  }
.LBB2_9:
0xa8: {  	p0 =	sne.s32 s14, $0x10C00;
	v6 =	vld [tilespmem:s2+$0x14310]  }
0xa9: {  	v7 =	vld [tilespmem:s2+$0xFFA0]  }
0xaa: {  	v8 =	vld [tilespmem:s2+$0x14320]  }
0xab: {  	v9 =	vld [tilespmem:s2+$0xFFB0]  }
0xac: {  	v10 =	vld [tilespmem:s2+$0x14330]  }
0xad: {  	v3 =	vsub.f32 v3, v4;
	v4 =	vsub.f32 v5, v6;
	v5 =	vld [tilespmem:s2+$0xFFC0]  }
0xae: {  	v6 =	vld [tilespmem:s2+$0x14340]  }
0xaf: {  	s28 =	sadd.s32 $0x1, s28;
	v3 =	vmul.f32 v3, v3;
	v4 =	vmul.f32 v4, v4;
	v7 =	vsub.f32 v7, v8;
	v8 =	vld [tilespmem:s2+$0xFFD0]  }
0xb0: {  	v11 =	vmov s28;
	v12 =	vld [tilespmem:s2+$0x14350]  }
0xb1: {  	v3 =	vadd.f32 v4, v3;
	v4 =	vmul.f32 v7, v7;
	v7 =	vsub.f32 v9, v10;
	v9 =	vld [tilespmem:s2+$0xFFE0]  }
0xb2: {  	v10 =	vld [tilespmem:s2+$0x14360]  }
0xb3: {  	v3 =	vadd.f32 v4, v3;
	v4 =	vmul.f32 v7, v7;
	v5 =	vsub.f32 v5, v6;
	v6 =	vld [tilespmem:s2+$0xFFF0]  }
0xb4: {  	v7 =	vld [tilespmem:s2+$0x14370]  }
0xb5: {  	v11 =	vld.idx.msk [tilespmem:v11+s17+$0x0], $0xffff;
	v3 =	vadd.f32 v4, v3;
	v4 =	vmul.f32 v5, v5;
	v5 =	vsub.f32 v8, v12;
	_ =	sdelay $0x1  }
0xb6: {  	v3 =	vadd.f32 v4, v3;
	v4 =	vmul.f32 v5, v5;
	v5 =	vsub.f32 v9, v10;
	_ =	sdelay $0x1  }
0xb7: {  	v3 =	vadd.f32 v4, v3;
	v4 =	vmul.f32 v5, v5;
	v5 =	vsub.f32 v6, v7;
	_ =	sdelay $0x1  }
0xb8: {  	v3 =	vadd.f32 v4, v3;
	v4 =	vmul.f32 v5, v5;
	v5 =	vshll.u32 v11, $0x4  }
0xb9: {  	v5 =	vor.u32 v1, v5  }
0xba: {  	v3 =	vadd.f32 v4, v3;
	_ =	sdelay $0x1  }
0xbb: {  	v3 =	vmul.f32 $7.812500000e-03, v3  }
.Ltmp3:
0xbc: {  	(pc) =	sbr.rel @p0 .LBB2_9-.Ltmp3, $4  }
0xbd: {  	s2 =	sshra.s32 s14, $0x2;
	[tilespmem:v5+s22+$0x0] =	vst.idx.add.f32.msk $0xffff, v3  }
0xbe: {  	v3 =	vld [tilespmem:s2+$0xFF80]  }
0xbf: {  	v4 =	vld [tilespmem:s2+$0x14300]  }
0xc0: {  	s14 =	sadd.s32 $0x200, s14;
	v5 =	vld [tilespmem:s2+$0xFF90]  }
0xc1: {  	v6 =	vld [tilespmem:s2+$0x14310]  }
0xc2: {  	v7 =	vld [tilespmem:s2+$0xFFA0]  }
0xc3: {  	v8 =	vld [tilespmem:s2+$0x14320]  }
0xc4: {  	v9 =	vld [tilespmem:s2+$0xFFB0]  }
0xc5: {  	v10 =	vld [tilespmem:s2+$0x14330]  }
0xc6: {  	v45 =	vld [tilespmem:s2+$0xFFC0];
	v3 =	vsub.f32 v3, v4;
	v44 =	vsub.f32 v5, v6  }
0xc7: {  	v46 =	vld [tilespmem:s2+$0x14340]  }
0xc8: {  	v47 =	vld [tilespmem:s2+$0xFFD0];
	s14 =	sadd.s32 $0x1, s28;
	v3 =	vmul.f32 v3, v3;
	v7 =	vsub.f32 v7, v8;
	v4 =	vmul.f32 v44, v44  }
0xc9: {  	v12 =	vld [tilespmem:s2+$0x14350];
	v11 =	vmov s14  }
0xca: {  	v50 =	vld [tilespmem:s2+$0xFFE0];
	v49 =	vsub.f32 v9, v10;
	v48 =	vmul.f32 v7, v7;
	v3 =	vadd.f32 v4, v3  }
0xcb: {  	v51 =	vld [tilespmem:s2+$0x14360]  }
0xcc: {  	v53 =	vld [tilespmem:s2+$0xFFF0];
	v5 =	vsub.f32 v45, v46;
	v52 =	vmul.f32 v49, v49;
	v3 =	vadd.f32 v48, v3  }
0xcd: {  	v54 =	vld [tilespmem:s2+$0x14370]  }
0xce: {  	v56 =	vsub.f32 v47, v12;
	v55 =	vmul.f32 v5, v5;
	v3 =	vadd.f32 v52, v3  }
0xcf: {  	v57 =	vld.idx.msk [tilespmem:v11+s17+$0x0], $0xffff  }
0xd0: {  	v59 =	vsub.f32 v50, v51;
	v58 =	vmul.f32 v56, v56;
	v3 =	vadd.f32 v55, v3;
	_ =	sdelay $0x1  }
0xd1: {  	v61 =	vsub.f32 v53, v54;
	v60 =	vmul.f32 v59, v59;
	v3 =	vadd.f32 v58, v3;
	_ =	sdelay $0x1  }
0xd2: {  	s30 =	sadd.s32 $0x1, s30;
	v62 =	vmul.f32 v61, v61;
	v63 =	vshll.u32 v57, $0x4;
	v3 =	vadd.f32 v60, v3  }
0xd3: {  	p0 =	sne.s32 s30, $0x10;
	v5 =	vor.u32 v1, v63  }
.Ltmp4:
0xd4: {  	v3 =	vadd.f32 v62, v3;
	(pc) =	sbr.rel @p0 .LBB2_6-.Ltmp4, $3  }
0xd5: {  	_ = 	snop  }
0xd6: {  	v3 =	vmul.f32 $7.812500000e-03, v3;
	_ =	sdelay $0x1  }
0xd7: {  	s0 =	sadd.s32 $0x10E, s0;
	s29 =	sadd.s32 $0x10E, s29;
	[tilespmem:v5+s22+$0x0] =	vst.idx.add.f32.msk $0xffff, v3  }
0xd8: {  	[hbm4b:s11+s24] =	stream.strided.scatter [tilespmem:s22], [sflag:$0x3], $0x2000, s25, s24, $0x38;
	[tilespmem:$0x18680] =	vst v63  }
0xd9: {  	s26 =	sadd.s32 $0x1, s26;
	_ =	swait.ge [sflag:s16], $0x2000  }
0xda: {  	p0 =	sne.s32 s26, s13;
	[sflag:s16] =	ssyncset.done $0x0  }
.Ltmp5:
0xdb: {  	[sflag:s16] =	ssyncadd.s32 $0xFFFFE000;
	(pc) =	sbr.rel @p0 .LBB2_1-.Ltmp5, $4  }
0xdc: {  	[hbm4b:s12+s24] =	stream.strided.scatter [tilespmem:s18], [sflag:$0x3], $0x2000, s25, s24, $0x38;
	[tilespmem:$0x18680] =	vst v63  }
0xdd: {  	_ =	swait.ge [sflag:s16], $0x2000  }
0xde: {  	[sflag:s16] =	ssyncset.done $0x0  }
0xdf: {  	[sflag:s16] =	ssyncadd.s32 $0xFFFFE000  }
0xe0: {  	_ =	sfence.sel $0x180000  }
0xe1: {  	[bflag:$0x0] =	sbarrier.arrive $0xFFFF  }
0xe2: {  	_ =	strace $0x90000047  }
0xe3: {  	s0 =	stileid.u32;
	[bflag:$0x2] =	sbarrier.arrive $0xFFFF  }
0xe4: {  	p0 =	sne.s32 s0, $0x0;
	s0 =	rddreg [dreg:$0x4]  }
0xe5: {  	s0 =	sadd.s32 @!p0 $0x100000, s0  }
0xe6: {  	[sflag:s0] =	ssyncadd.tile.s32 @!p0 $0x1;
	_ =	shalt  }
.Lfunc_end2:
_tile_overlayer_lowered:
.L_overlay_start_2:
0xe7: {  	(tag) =	ssettag $0x2  }
0xe8: {  	s0 =	rddreg [dreg:$0x0];
	s2 =	stileid.u32  }
0xe9: {  	s1 =	rddreg [dreg:$0x1];
	p0 =	sne.s32 s2, $0x0  }
0xea: {  	s3 =	rddreg [dreg:$0x2];
	[bflag:$0x3] =	sbarrier.arrive $0xFFFF;
	s2 =	simm.s32 @!p0 $0x1C03  }
0xeb: {  	[timem:s3], [sflag:s2] =	dma.local @!p0 [hbm:s0], s1  }
0xec: {  	s0 =	simm.s32 @!p0 $0x3  }
0xed: {  	_ =	swait.ge @!p0 [sflag:s0], s1  }
0xee: {  	s1 =	ssub.s32 @!p0 $0x0, s1;
	[sflag:s0] =	ssyncset.done @!p0 $0x0  }
0xef: {  	[sflag:s0] =	ssyncadd.s32 @!p0 s1  }
0xf0: {  	[bflag:$0x3] =	sbarrier.arrive $0xFFFF  }
0xf1: {  	_ =	shalt  }

// kernel: kernel.9.cloned.1.call-start
scs
__scs_entry_jumppad:
0x0: {  	(pc) =	sbr.rel $0x88, $3  }
0x1: {  	(tag) =	ssettag $0x0;
	lr =	simm.s32 $0x1  }
0x2: {  	[smem:$0x3F9E] =	sst lr;
	_ =	strace $0xD0000000  }
0x3: {  	_ = 	snop  }
0x4: {  	_ = 	snop  }
0x5: {  	_ = 	snop  }
0x6: {  	_ = 	snop  }
0x7: {  	_ = 	snop  }
__scs_overlays_trampoline_lowered:
0x8: {  	[smem:$0x3FAD] =	sst s0  }
0x9: {  	[smem:$0x3FAE] =	sst s1  }
0xa: {  	[smem:$0x3FAF] =	sst s2  }
0xb: {  	[smem:$0x3FB0] =	sst s3  }
0xc: {  	[smem:$0x3FB1] =	sst s4  }
0xd: {  	[smem:$0x3FB2] =	sst s5  }
0xe: {  	[smem:$0x3FB3] =	sst s6  }
0xf: {  	[smem:$0x3FB4] =	sst s7  }
0x10: {  	[smem:$0x3FB5] =	sst s8  }
0x11: {  	[smem:$0x3FB6] =	sst s9;
	s0 =	simm.s32 @!p0 $0x0  }
0x12: {  	s1 =	sld [smem:$0x3F9C];
	s0 =	simm.s32 @p0 $0x1  }
0x13: {  	[smem:$0x3FB7] =	sst s0;
	s0 =	simm.s32 @!p1 $0x0  }
0x14: {  	s2 =	sld [smem:$0x3F9B];
	s0 =	simm.s32 @p1 $0x1  }
0x15: {  	[smem:$0x3FB8] =	sst s0;
	s0 =	simm.s32 @!p2 $0x0  }
0x16: {  	s3 =	sld [smem:$0x3FDB];
	s0 =	simm.s32 @p2 $0x1  }
0x17: {  	s4 =	simm.s32 $0x1BF5;
	[smem:$0x3FBA] =	sst s0  }
0x18: {  	s0 =	sld [smem:$0x3F9D];
	_ =	swait.ge [sflag:s4], $0x0  }
0x19: {  	s7 =	sld [smem:$0x3F9E]  }
0x1a: {  	s8 =	sadd.s32 $0xFFFFE003, lr  }
0x1b: {  	s9 =	sadd.s32 $0xFFFFFEF7, lr;
	s5 =	simm.s32 $0xFFFFFFFF;
	p2 =	slt.u32 s8, $0xFFFFF086  }
0x1c: {  	p1 =	slt.u32 s9, $0xF7A;
	s5 =	simm.s32 @!p2 $0x0  }
0x1d: {  	s5 =	simm.s32 @p1 $0x1;
	p0 =	seq.s32 s7, s2  }
0x1e: {  	s7 =	smul.u32 @!p0 $0xF7A, s2;
	p2 =	seq.s32 @!p0 s5, $0x0  }
0x1f: {  	s9 =	smul.u32 $0xF7A, s1;
	s8 =	simm.s32 @!p0 $0x1BF5;
	p2 =	por !p2, p0  }
0x20: {  	[sflag:s8] =	ssyncset.s32 @!p0 $0xFFFFF086;
	s6 =	sadd.s32 @!p0 s3, s7;
	s7 =	simm.s32 @!p0 $0x108  }
0x21: {  	s3 =	sadd.s32 s3, s9;
	s6 =	sadd.s32 @!p0 $0x88, s6;
	s7 =	simm.s32 @p2 $0x1082  }
0x22: {  	[simem:s7], [sflag:s8] =	dma.local @!p0 [hbm:s6], $0xF7A  }
0x23: {  	s9 =	sor.u32 $0xD0000000, s2;
	s6 =	simm.s32 $0x108;
	_ =	swait.ge @!p0 [sflag:s8], $0x0  }
0x24: {  	s3 =	sadd.s32 $0x88, s3;
	s6 =	simm.s32 @!p1 $0x1082;
	[sflag:s4] =	ssyncset.s32 $0xFFFFF086  }
0x25: {  	[simem:s6], [sflag:s4] =	dma.local [hbm:s3], $0xF7A  }
0x26: {  	[smem:$0x3F9E] =	sst s1;
	(tag) =	ssettag s2;
	_ =	strace s9  }
0x27: {  	s1 =	sld [smem:$0x3FAE]  }
0x28: {  	s2 =	sld [smem:$0x3FAF]  }
0x29: {  	s4 =	sld [smem:$0x3FB1]  }
0x2a: {  	p0 =	seq.s32 s5, $0x0;
	s5 =	sld [smem:$0x3FB2]  }
0x2b: {  	s6 =	sld [smem:$0x3FB3]  }
0x2c: {  	s7 =	sld [smem:$0x3FB4]  }
0x2d: {  	s3 =	simm.s32 $0x108;
	s8 =	sld [smem:$0x3FB5]  }
0x2e: {  	s3 =	simm.s32 @!p0 $0x1082;
	s9 =	sld [smem:$0x3FB6]  }
0x2f: {  	lr =	sadd.s32 s0, s3;
	s0 =	sld [smem:$0x3FAD]  }
0x30: {  	s3 =	sld [smem:$0x3FB0]  }
0x31: {  	[smem:$0x3FB9] =	sst s10  }
0x32: {  	s10 =	sld [smem:$0x3FB7];
	_ =	sdelay $0x3  }
0x33: {  	p0 =	seq.s32 s10, $0x1;
	s10 =	sld [smem:$0x3FB9];
	_ =	sdelay $0x3  }
0x34: {  	[smem:$0x3FB9] =	sst s10  }
0x35: {  	s10 =	sld [smem:$0x3FB8];
	_ =	sdelay $0x3  }
0x36: {  	p1 =	seq.s32 s10, $0x1;
	s10 =	sld [smem:$0x3FB9];
	_ =	sdelay $0x3  }
0x37: {  	[smem:$0x3FB9] =	sst s10  }
0x38: {  	s10 =	sld [smem:$0x3FBA]  }
0x39: {  	_ = 	snop;
	(pc) =	sbr.ind lr, $3  }
0x3a: {  	_ = 	snop  }
0x3b: {  	_ = 	snop  }
0x3c: {  	p2 =	seq.s32 s10, $0x1;
	s10 =	sld [smem:$0x3FB9]  }
0x3d: {  	_ =	shalt  }
0x3e: {  	_ =	shalt  }
0x3f: {  	_ =	shalt  }
0x40: {  	_ =	shalt  }
0x41: {  	_ =	shalt  }
0x42: {  	_ =	shalt  }
0x43: {  	_ =	shalt  }
0x44: {  	_ =	shalt  }
0x45: {  	_ =	shalt  }
0x46: {  	_ =	shalt  }
0x47: {  	_ =	shalt  }
0x48: {  	_ =	shalt  }
0x49: {  	_ =	shalt  }
0x4a: {  	_ =	shalt  }
0x4b: {  	_ =	shalt  }
0x4c: {  	_ =	shalt  }
0x4d: {  	_ =	shalt  }
0x4e: {  	_ =	shalt  }
0x4f: {  	_ =	shalt  }
0x50: {  	_ =	shalt  }
0x51: {  	_ =	shalt  }
0x52: {  	_ =	shalt  }
0x53: {  	_ =	shalt  }
0x54: {  	_ =	shalt  }
0x55: {  	_ =	shalt  }
0x56: {  	_ =	shalt  }
0x57: {  	_ =	shalt  }
0x58: {  	_ =	shalt  }
0x59: {  	_ =	shalt  }
0x5a: {  	_ =	shalt  }
0x5b: {  	_ =	shalt  }
0x5c: {  	_ =	shalt  }
0x5d: {  	_ =	shalt  }
0x5e: {  	_ =	shalt  }
0x5f: {  	_ =	shalt  }
0x60: {  	_ =	shalt  }
0x61: {  	_ =	shalt  }
0x62: {  	_ =	shalt  }
0x63: {  	_ =	shalt  }
0x64: {  	_ =	shalt  }
0x65: {  	_ =	shalt  }
0x66: {  	_ =	shalt  }
0x67: {  	_ =	shalt  }
0x68: {  	_ =	shalt  }
0x69: {  	_ =	shalt  }
0x6a: {  	_ =	shalt  }
0x6b: {  	_ =	shalt  }
0x6c: {  	_ =	shalt  }
0x6d: {  	_ =	shalt  }
0x6e: {  	_ =	shalt  }
0x6f: {  	_ =	shalt  }
0x70: {  	_ =	shalt  }
0x71: {  	_ =	shalt  }
0x72: {  	_ =	shalt  }
0x73: {  	_ =	shalt  }
0x74: {  	_ =	shalt  }
0x75: {  	_ =	shalt  }
0x76: {  	_ =	shalt  }
0x77: {  	_ =	shalt  }
0x78: {  	_ =	shalt  }
0x79: {  	_ =	shalt  }
0x7a: {  	_ =	shalt  }
0x7b: {  	_ =	shalt  }
0x7c: {  	_ =	shalt  }
0x7d: {  	_ =	shalt  }
0x7e: {  	_ =	shalt  }
0x7f: {  	_ =	shalt  }
0x80: {  	_ =	shalt  }
0x81: {  	_ =	shalt  }
0x82: {  	_ =	shalt  }
0x83: {  	_ =	shalt  }
0x84: {  	_ =	shalt  }
0x85: {  	_ =	shalt  }
0x86: {  	_ =	shalt  }
0x87: {  	_ =	shalt  }
.Lfunc_end0:
.L_simem_size_0:
called_computation.1_lowered:
.L_overlay_start_0:
0x88: {  	s2 =	sld [smem:$0x3FD9]  }
0x89: {  	s3 =	sld [smem:$0x3FFE];
	_ =	sdelay $0x1  }
0x8a: {  	s1 =	srdreg.scid  }
0x8b: {  	s0 =	sand.u32 $0x1, s1  }
0x8c: {  	s17 =	sshll.u32 s0, $0xA;
	s2 =	sadd.s32 s3, s2  }
0x8d: {  	s2 =	sadd.s32 s2, s17  }
0x8e: {  	[smem:$0x3FC5] =	sst s2  }
0x8f: {  	_ = 	snop  }
0x90: {  	s2 =	sld [smem:$0x3FC7];
	(tm) =	ssettm $0x1  }
0x91: {  	s18 =	sld [smem:$0x3FFB];
	_ =	sdelay $0x3  }
0x92: {  	_ =	strace s18  }
0x93: {  	s3 =	sld [smem:$0x3FFC];
	_ =	sdelay $0x3  }
0x94: {  	_ =	strace s3  }
0x95: {  	s3 =	sld [smem:$0x3FFD];
	_ =	sdelay $0x3  }
0x96: {  	_ =	strace s3  }
0x97: {  	_ =	strace $0x8FFFFFFF  }
0x98: {  	s19 =	sld [smem:$0x3FDB];
	_ =	sdelay $0x1  }
0x99: {  	s4 =	simm.s32 $_scs_section_size  }
0x9a: {  	s5 =	simm.s32 $_size__tile_overlayer_lowered;
	s6 =	simm.s32 $_tile_overlayer_lowered  }
0x9b: {  	s22 =	simm.s32 $0x1BFF;
	s21 =	sshll.u32 s6, $0x1;
	s3 =	sadd.s32 s4, s19  }
0x9c: {  	s7 =	simm.s32 $0x0;
	s20 =	sshll.u32 s5, $0x1;
	s5 =	sadd.s32 s21, s3  }
0x9d: {  	[timem:s7], [sflag:s22] =	dma.local [hbm:s5], s20  }
0x9e: {  	_ =	swait.ge [sflag:s22], s20  }
0x9f: {  	s4 =	ssub.s32 $0x0, s20;
	[sflag:s22] =	ssyncset.done $0x0  }
0xa0: {  	[sflag:s22] =	ssyncadd.s32 s4;
	_ =	sdelay $0x1  }
0xa1: {  	s23 =	simm.s32 $0x1B8B  }
0xa2: {  	_ =	swait.ge [sflag:s23], $0x1  }
0xa3: {  	[sflag:s23] =	ssyncset.done $0x0  }
0xa4: {  	s25 =	simm.s32 $0x1B8E;
	s24 =	sld [smem:$0x3FFE];
	[sflag:s23] =	ssyncadd.s32 $0xFFFFFFFF  }
0xa5: {  	s26 =	simm.s32 $execute0_lowered;
	[smem:$0x3FD2] =	sst s25  }
0xa6: {  	s5 =	sshll.u32 s26, $0x1;
	_ =	strace $0x80000049;
	[dreg:$0x1] =	wrdreg $0xFFFFFFFF  }
0xa7: {  	s28 =	simm.s32 $_size_execute0_lowered;
	s3 =	sadd.s32 s3, s5;
	[dreg:$0x0] =	wrdreg $0x0  }
0xa8: {  	s5 =	sshll.u32 s28, $0x1;
	[dreg:$0x2] =	wrdreg s3  }
0xa9: {  	[dreg:$0x3] =	wrdreg s5  }
0xaa: {  	[dreg:$0x4] =	wrdreg $0xC0  }
0xab: {  	_ =	task [dreg:s7], $0x5FFFF  }
0xac: {  	[dreg:$0x1] =	wrdreg $0xFFFFFFFF  }
0xad: {  	[dreg:$0x0] =	wrdreg $0x60  }
0xae: {  	[dreg:$0x2] =	wrdreg s24  }
0xaf: {  	[dreg:$0x3] =	wrdreg s2  }
0xb0: {  	[dreg:$0x4] =	wrdreg $0x9  }
0xb1: {  	_ =	task.clear_ibuf [dreg:s7], $0x5FFFF;
	_ =	strace $0x90000049  }
0xb2: {  	s29 =	simm.s32 $0x9;
	_ =	strace $0x8000004B  }
0xb3: {  	_ =	swait.ge [sflag:s29], $0x1  }
0xb4: {  	[sflag:s29] =	ssyncadd.s32 $0xFFFFFFFF  }
0xb5: {  	_ =	strace $0x9000004B  }
0xb6: {  	_ =	sfence  }
0xb7: {  	s30 =	sld [smem:$0x0];
	_ =	sdelay $0x2  }
0xb8: {  	s31 =	sshll.u32 s1, $0xD;
	s1 =	sshrl.u32 s1, $0x2  }
0xb9: {  	s3 =	sand.u32 $0x4000, s31;
	s1 =	sadd.s32 s1, s30  }
0xba: {  	s0 =	sor.u32 s3, s0;
	s1 =	sshll.u32 s1, $0x11  }
0xbb: {  	s0 =	sor.u32 s1, s0  }
0xbc: {  	s0 =	sadd.s32 $0x8F2B, s0  }
0xbd: {  	[sflag:s0] =	ssyncadd.remote.s32 $0x1  }
0xbe: {  	_ =	sfence.sel $0xFFFF  }
0xbf: {  	[dreg:$0x0] =	wrdreg $0xFFFFFFFF;
	(pc) =	sbr.abs _section_cstart, $3  }
0xc0: {  	[dreg:$0x1] =	wrdreg $0xFFFFFFFF  }
0xc1: {  	_ =	task.clear_ibuf [dreg:s7], $0x2FFFF;
	_ =	strace $0x9FFFFFFF  }
0xc2: {  	(tm) =	ssettm $0x7FFFFFFF  }
0xc3: {  	_ =	shalt  }
tec
execute0_lowered:
.L_overlay_start_1:
0x0: {  	(tag) =	ssettag $0x1  }
0x1: {  	s3 =	rddreg [dreg:$0x0];
	s1 =	srdreg.scid  }
0x2: {  	s0 =	stileid.u32;
	s4 =	rddreg [dreg:$0x1];
	s10 =	simm.s32 $0x400  }
0x3: {  	s11 =	simm.s32 $0x2D00;
	s12 =	simm.s32 $0x1;
	s13 =	simm.s32 $0x2  }
0x4: {  	s14 =	simm.s32 $0x3;
	s15 =	simm.s32 $0x4;
	s16 =	simm.s32 $0x0  }
0x5: {  	s5 =	sand.u32 $0x1, s1;
	s2 =	sshll.u32 s0, $0x1;
	s1 =	rddreg [dreg:$0x2]  }
0x6: {  	s7 =	sshll.u32 s0, $0xB;
	s6 =	sor.u32 s5, s2;
	s2 =	simm.s32 $0x0  }
0x7: {  	s5 =	ssub.s32 $0x2, s5;
	s8 =	sshll.u32 s6, $0x4;
	[smem:$0x7FF] =	sst s2  }
0x8: {  	s6 =	smul.u32 $0x2C6, s6;
	s31 =	sshrl.u32 s5, $0x1;
	s7 =	sor.u32 s7, s8  }
0x9: {  	_ =	strace $0x8000004A;
	s9 =	ssub.s32 s5, s31;
	s7 =	sand.u32 $0x6070, s7  }
0xa: {  	s8 =	simm.s32 $0x1680;
	s30 =	sadd.s32 s6, s3;
	s7 =	sadd.s32 s7, s3  }
0xb: {  	s4 =	sadd.s32 s4, s6;
	s3 =	sadd.s32 $0x11200, s30;
	s5 =	sadd.s32 $0x1200, s7  }
0xc: {  	v0 =	vlaneseq.u32;
	s6 =	sadd.s32 $0x16C00, s7;
	s7 =	smax.u32 s9, $0x1;
	s9 =	simm.s32 $0x80  }
.LBB2_1:
0xd: {  	[tilespmem:s2], [sflag:$0x1] =	stream.linear.gather [hbm4b:s3+s2], $0x1630, $0x38;
	[tilespmem:$0x4D00] =	vst v63  }
0xe: {  	_ = 	snop  }
0xf: {  	[tilespmem:s8], [sflag:$0x2] =	stream.linear.gather [hbm4b:s4+s2], $0x1630, $0x38;
	[tilespmem:$0x4D00] =	vst v63  }
0x10: {  	_ = 	snop  }
0x11: {  	[tilespmem:s11], [sflag:$0x3] =	stream.strided.gather [hbm4b:s5+s9], $0x2000, s10, s9, $0x38;
	[tilespmem:$0x4D00] =	vst v63  }
0x12: {  	_ =	swait.ge [sflag:s12], $0x1630  }
0x13: {  	[sflag:s12] =	ssyncset.done $0x0  }
0x14: {  	[sflag:s12] =	ssyncadd.s32 $0xFFFFE9D0  }
0x15: {  	_ =	swait.ge [sflag:s13], $0x1630  }
0x16: {  	[sflag:s13] =	ssyncset.done $0x0  }
0x17: {  	[sflag:s13] =	ssyncadd.s32 $0xFFFFE9D0  }
0x18: {  	_ =	swait.ge [sflag:s14], $0x2000  }
0x19: {  	[sflag:s14] =	ssyncset.done $0x0  }
0x1a: {  	s18 =	simm.s32 $0x0;
	s17 =	simm.s32 $0x40;
	[sflag:s14] =	ssyncadd.s32 $0xFFFFE000  }
.LBB2_2:
0x1b: {  	p0 =	sne.s32 s17, $0x5880;
	v1 =	vld [tilespmem:s18+$0x1680];
	_ =	sdelay $0x4  }
0x1c: {  	v1 =	vshll.u32 v1, $0x4  }
0x1d: {  	v2 =	vld [tilespmem:s18+$0x0];
	v1 =	vor.u32 v0, v1  }
.Ltmp0:
0x1e: {  	(pc) =	sbr.rel @p0 .LBB2_2-.Ltmp0, $2  }
0x1f: {  	_ =	sdelay $0x2  }
0x20: {  	s18 =	sshra.s32 s17, $0x2;
	s17 =	sadd.s32 $0x40, s17;
	[tilespmem:v1+s11+$0x0] =	vst.idx.add.f32.msk $0xffff, v2  }
0x21: {  	v1 =	vld [tilespmem:s18+$0x1680];
	_ =	sdelay $0x4  }
0x22: {  	v1 =	vshll.u32 v1, $0x4  }
0x23: {  	v2 =	vld [tilespmem:s18+$0x0];
	v1 =	vor.u32 v0, v1;
	_ =	sdelay $0x2  }
0x24: {  	s16 =	sadd.s32 $0x1, s16  }
0x25: {  	p0 =	sne.s32 s16, s7  }
.Ltmp1:
0x26: {  	[tilespmem:v1+s11+$0x0] =	vst.idx.add.f32.msk $0xffff, v2;
	(pc) =	sbr.rel @p0 .LBB2_1-.Ltmp1, $4  }
0x27: {  	[hbm4b:s6+s9] =	stream.strided.scatter [tilespmem:s11], [sflag:$0x4], $0x2000, s10, s9, $0x38;
	[tilespmem:$0x4D00] =	vst v63  }
0x28: {  	_ =	swait.ge [sflag:s15], $0x2000  }
0x29: {  	[sflag:s15] =	ssyncset.done $0x0  }
0x2a: {  	[sflag:s15] =	ssyncadd.s32 $0xFFFFE000  }
0x2b: {  	_ =	sfence.sel $0x180000  }
0x2c: {  	[bflag:$0x0] =	sbarrier.arrive $0xFFFF  }
0x2d: {  	p0 =	sne.s32 s0, $0x0;
	_ =	strace $0x9000004A  }
0x2e: {  	s0 =	sadd.s32 @!p0 $0x100000, s1;
	[bflag:$0x2] =	sbarrier.arrive $0xFFFF  }
0x2f: {  	[sflag:s0] =	ssyncadd.tile.s32 @!p0 $0x1;
	_ =	shalt  }
.Lfunc_end2:
_tile_overlayer_lowered:
.L_overlay_start_2:
0x30: {  	(tag) =	ssettag $0x2  }
0x31: {  	s0 =	rddreg [dreg:$0x0];
	s2 =	stileid.u32  }
0x32: {  	s1 =	rddreg [dreg:$0x1];
	p0 =	sne.s32 s2, $0x0  }
0x33: {  	s3 =	rddreg [dreg:$0x2];
	[bflag:$0x3] =	sbarrier.arrive $0xFFFF;
	s2 =	simm.s32 @!p0 $0x1C04  }
0x34: {  	[timem:s3], [sflag:s2] =	dma.local @!p0 [hbm:s0], s1  }
0x35: {  	s0 =	simm.s32 @!p0 $0x4  }
0x36: {  	_ =	swait.ge @!p0 [sflag:s0], s1  }
0x37: {  	s1 =	ssub.s32 @!p0 $0x0, s1;
	[sflag:s0] =	ssyncset.done @!p0 $0x0  }
0x38: {  	[sflag:s0] =	ssyncadd.s32 @!p0 s1  }
0x39: {  	[bflag:$0x3] =	sbarrier.arrive $0xFFFF  }
0x3a: {  	_ =	shalt  }

</sc_bundles>
